<compile_context>
chip_gen: v7x
topology: tpu7x:2x2x1
jax: 0.10.2.dev20260603
libtpu: 0.0.44.dev20260713+nightly
codegen_flags: <defaults>
</compile_context>

<pallas_src>
import functools
import jax
import jax.numpy as jnp
from jax import lax
from jax.experimental import pallas as pl
from jax.experimental.pallas import tpu as pltpu
from jax.experimental.pallas import tpu_sc as plsc

N = 10000
E = 320000
D = 128
G = 128

NC = 2
NS = 16
NW = NC * NS
K = 80
EPW = E // NW
NCHUNK = EPW // K
NPAD = 10240
RPT = NPAD // NS


def _make_sc_agg(with_deg):
    mesh = plsc.VectorSubcoreMesh(core_axis_name="c", subcore_axis_name="s")
    out_type = [jax.ShapeDtypeStruct((NC, NPAD, D), jnp.float32)]
    if with_deg:
        out_type.append(jax.ShapeDtypeStruct((NW, N), jnp.int32))
    scratch = [
        pltpu.VMEM((EPW,), jnp.int32),
        pltpu.VMEM((K,), jnp.int32),
        pltpu.VMEM((K,), jnp.int32),
        pltpu.VMEM((K, D), jnp.float32),
        pltpu.VMEM((K, D), jnp.float32),
        pltpu.VMEM_SHARED((NPAD, D), jnp.float32),
        pltpu.SemaphoreType.DMA,
        pltpu.SemaphoreType.DMA,
        pltpu.SemaphoreType.DMA,
        pltpu.SemaphoreType.DMA,
    ]
    if with_deg:
        scratch.append(pltpu.VMEM((N,), jnp.int32))

    @functools.partial(pl.kernel, mesh=mesh, out_type=out_type,
                       scratch_types=scratch,
                       compiler_params=pltpu.CompilerParams(
                           needs_layout_passes=False))
    def agg(x_hbm, edges_hbm, *refs):
        if with_deg:
            (out_hbm, deg_hbm, srcall, dv0, dv1, rows0, rows1, acc_sh,
             gs0, gs1, dsm0, dsm1, comb_v) = refs
        else:
            (out_hbm, srcall, dv0, dv1, rows0, rows1, acc_sh,
             gs0, gs1, dsm0, dsm1) = refs
        dv = (dv0, dv1)
        rows = (rows0, rows1)
        gsem = (gs0, gs1)
        dsem = (dsm0, dsm1)
        c = lax.axis_index("c")
        s = lax.axis_index("s")
        wid = c * NS + s
        ebase = wid * EPW

        z16 = jnp.zeros((16,), jnp.float32)
        zi16 = jnp.zeros((16,), jnp.int32)

        def zero_rows(i, _):
            r = i // (D // 16)
            col = (i % (D // 16)) * 16
            rows0[r, pl.ds(col, 16)] = z16
            return _
        lax.fori_loop(0, K * (D // 16), zero_rows, 0)

        row0 = s * RPT
        for j in range(RPT // K):
            pltpu.sync_copy(rows0, acc_sh.at[pl.ds(row0 + j * K, K)])

        if with_deg:
            def zero_deg(i, _):
                comb_v[pl.ds(i * 16, 16)] = zi16
                return _
            lax.fori_loop(0, N // 16, zero_deg, 0)

        plsc.subcore_barrier()

        pltpu.sync_copy(edges_hbm.at[pl.ds(ebase, EPW)], srcall)
        pltpu.async_copy(edges_hbm.at[pl.ds(E + ebase, K)], dv0, dsm0)
        pltpu.async_copy(x_hbm.at[srcall.at[pl.ds(0, K)]], rows0, gs0)

        def do_chunk(i, b):
            @pl.when(i + 1 < NCHUNK)
            def _():
                nb = 1 - b
                pltpu.async_copy(
                    edges_hbm.at[pl.ds(E + ebase + (i + 1) * K, K)],
                    dv[nb], dsem[nb])
                pltpu.async_copy(
                    x_hbm.at[srcall.at[pl.ds((i + 1) * K, K)]],
                    rows[nb], gsem[nb])
            pltpu.make_async_copy(
                edges_hbm.at[pl.ds(0, K)], dv[b], dsem[b]).wait()
            if with_deg:
                for j in range(K // 16):
                    d16 = dv[b][pl.ds(j * 16, 16)]
                    s16 = srcall[pl.ds(i * K + j * 16, 16)]
                    vals = jnp.where(s16 == d16, 16385, 16384)
                    plsc.addupdate_scatter(comb_v, [d16], vals)
            pltpu.make_async_copy(
                x_hbm.at[pl.ds(0, K)], rows[b], gsem[b]).wait()
            pltpu.sync_copy(rows[b], acc_sh.at[dv[b]], add=True)

        def pair(g, carry):
            do_chunk(2 * g, 0)

            @pl.when(2 * g + 1 < NCHUNK)
            def _():
                do_chunk(2 * g + 1, 1)
            return carry
        lax.fori_loop(0, (NCHUNK + 1) // 2, pair, 0)

        plsc.subcore_barrier()

        pltpu.sync_copy(acc_sh.at[pl.ds(row0, RPT)],
                        out_hbm.at[c, pl.ds(row0, RPT)])
        if with_deg:
            pltpu.sync_copy(comb_v, deg_hbm.at[wid])

    return agg


_sc_agg_deg = _make_sc_agg(True)
_sc_agg_plain = _make_sc_agg(False)

BA = 2000


def _tc_h1_body(x_r, agg_r, degp_r, W1_r, b1_r, W2_r, W3_r, b3_r, h1_r):
    x = x_r[...]
    onesw = jnp.ones((NW, 1), jnp.float32)
    idegp = (degp_r[0] >> 14).astype(jnp.float32)
    indeg = jnp.dot(idegp, onesw,
                    preferred_element_type=jnp.float32)
    a = jnp.dot(x, W1_r[...], preferred_element_type=jnp.float32) + b1_r[...]
    aggx = agg_r[0] + agg_r[1]
    h = (indeg * a
         - jnp.dot(aggx, W2_r[...], preferred_element_type=jnp.float32)
         + jnp.dot(x, W3_r[...], preferred_element_type=jnp.float32)
         + b3_r[...])
    h1_r[...] = jnp.maximum(h, 0.0)


def _tc_h1(x, agg, degp, W1, b1, W2, W3, b3):
    full = lambda i: (0, 0)
    blk = lambda i: (i, 0)
    return pl.pallas_call(
        _tc_h1_body,
        grid=(N // BA,),
        in_specs=[
            pl.BlockSpec((BA, D), blk),
            pl.BlockSpec((NC, BA, D), lambda i: (0, i, 0)),
            pl.BlockSpec((1, BA, NW), lambda i: (i, 0, 0)),
            pl.BlockSpec((D, D), full),
            pl.BlockSpec((1, D), full),
            pl.BlockSpec((D, D), full),
            pl.BlockSpec((D, D), full),
            pl.BlockSpec((1, D), full),
        ],
        out_specs=pl.BlockSpec((BA, D), blk),
        out_shape=jax.ShapeDtypeStruct((N, D), jnp.float32),
    )(x, agg, degp, W1, b1, W2, W3, b3)


def _tc_h3_body(h1_r, agg_r, degp_r, batch_r,
                co_W_r, co_b_r, cr_W_r, f1_W_r, f1_b_r, f2_W_r, f2_b_r,
                out_r, psum, cnt):
    i = pl.program_id(0)
    nb = pl.num_programs(0)
    h1 = h1_r[...]
    onesw = jnp.ones((NW, 1), jnp.float32)
    dg = (((0,), (0,)), ((), ()))
    comb = degp_r[0]
    idegp = (comb >> 14).astype(jnp.float32)
    sdegp = (comb & 16383).astype(jnp.float32)
    indeg = jnp.dot(idegp, onesw, preferred_element_type=jnp.float32)
    selfc = jnp.dot(sdegp, onesw, preferred_element_type=jnp.float32)
    deg = jnp.maximum(indeg - selfc + 1.0, 1.0)
    dinv = 1.0 / deg
    aggh = agg_r[0] + agg_r[1] - selfc * h1
    agg2 = dinv * (aggh + h1)
    h2 = (jnp.dot(agg2, co_W_r[...], preferred_element_type=jnp.float32)
          + co_b_r[...]
          + jnp.dot(h1, cr_W_r[...], preferred_element_type=jnp.float32))
    h3 = jnp.maximum(h2, 0.0)

    seg = lax.broadcasted_iota(jnp.int32, (1, G), 1)
    onehot = (batch_r[...] == seg).astype(jnp.float32)
    pp = lax.dot_general(onehot, h3, dg,
                         preferred_element_type=jnp.float32)
    ones_b = jnp.ones((BA, 1), jnp.float32)
    cc = lax.dot_general(onehot, ones_b, dg,
                         preferred_element_type=jnp.float32)

    @pl.when(i == 0)
    def _():
        psum[...] = pp
        cnt[...] = cc

    @pl.when(i > 0)
    def _():
        psum[...] += pp
        cnt[...] += cc

    @pl.when(i == nb - 1)
    def _():
        pooled = psum[...] / jnp.maximum(cnt[...], 1.0)
        h4 = jnp.maximum(
            jnp.dot(pooled, f1_W_r[...], preferred_element_type=jnp.float32)
            + f1_b_r[...], 0.0)
        out_r[...] = (jnp.dot(h4, f2_W_r[...],
                              preferred_element_type=jnp.float32)
                      + f2_b_r[...])


def _tc_h3(h1, agg, degp, batch2, co_W, co_b, cr_W,
           f1_W, f1_b, f2_Wp, f2_bp):
    full = lambda i: (0, 0)
    blk = lambda i: (i, 0)
    return pl.pallas_call(
        _tc_h3_body,
        grid=(N // BA,),
        in_specs=[
            pl.BlockSpec((BA, D), blk),
            pl.BlockSpec((NC, BA, D), lambda i: (0, i, 0)),
            pl.BlockSpec((1, BA, NW), lambda i: (i, 0, 0)),
            pl.BlockSpec((BA, 1), blk),
            pl.BlockSpec((D, D), full),
            pl.BlockSpec((1, D), full),
            pl.BlockSpec((D, D), full),
            pl.BlockSpec((D, D), full),
            pl.BlockSpec((1, D), full),
            pl.BlockSpec((D, G), full),
            pl.BlockSpec((1, G), full),
        ],
        out_specs=pl.BlockSpec((G, G), full),
        out_shape=jax.ShapeDtypeStruct((G, G), jnp.float32),
        scratch_shapes=[
            pltpu.VMEM((G, D), jnp.float32),
            pltpu.VMEM((G, 1), jnp.float32),
        ],
    )(h1, agg, degp, batch2, co_W, co_b, cr_W, f1_W, f1_b,
      f2_Wp, f2_bp)


def kernel(x, edge_index, batch, le_lin1_W, le_lin1_b, le_lin2_W, le_lin3_W,
           le_lin3_b, cg_out_W, cg_out_b, cg_root_W, fc1_W, fc1_b, fc2_W,
           fc2_b):
    C = fc2_W.shape[1]
    edges_flat = edge_index.reshape(-1)
    aggx, degp = _sc_agg_deg(x, edges_flat)
    NB = N // BA
    degp3 = degp.reshape(NW, NB, BA).transpose(1, 2, 0)
    h1 = _tc_h1(x, aggx, degp3,
                le_lin1_W, le_lin1_b[None, :], le_lin2_W, le_lin3_W,
                le_lin3_b[None, :])
    aggh = _sc_agg_plain(h1, edges_flat)
    if isinstance(aggh, (list, tuple)):
        aggh = aggh[0]
    f2_Wp = jnp.zeros((D, G), jnp.float32).at[:, :C].set(fc2_W)
    f2_bp = jnp.zeros((1, G), jnp.float32).at[:, :C].set(fc2_b)
    out = _tc_h3(h1, aggh, degp3, batch[:, None],
                 cg_out_W, cg_out_b[None, :], cg_root_W,
                 fc1_W, fc1_b[None, :], f2_Wp, f2_bp)
    return out[:, :C]

# --- scband reference (transcript-rebuilt; emitter-appended) ---
"""Pipeline reference for scband-le-cluster-gcn-l1-fc2-lm-74715251081787 (READ-ONLY COPY).

The authoritative reference and input builder live on the scoring server;
editing this copy changes nothing except your own understanding.
"""

import jax, jax.numpy as jnp
import numpy as np

N = 10000
E = 320000
D = 128
C = 10
G = 128


def setup_inputs(seed: int = 0):
    key = jax.random.key(seed)
    ks = jax.random.split(key, 16)
    s = 0.05
    return {
        "x": jax.random.normal(ks[0], (N, D), dtype=jnp.float32),
        "edge_index": jax.random.randint(ks[1], (2, E), 0, N, dtype=jnp.int32),
        "batch": jnp.sort(jax.random.randint(ks[2], (N,), 0, G, dtype=jnp.int32)),
        "le_lin1_W": jax.random.normal(ks[3], (D, D), dtype=jnp.float32) * s,
        "le_lin1_b": jnp.zeros((D,), dtype=jnp.float32),
        "le_lin2_W": jax.random.normal(ks[4], (D, D), dtype=jnp.float32) * s,
        "le_lin3_W": jax.random.normal(ks[5], (D, D), dtype=jnp.float32) * s,
        "le_lin3_b": jnp.zeros((D,), dtype=jnp.float32),
        "cg_out_W": jax.random.normal(ks[6], (D, D), dtype=jnp.float32) * s,
        "cg_out_b": jnp.zeros((D,), dtype=jnp.float32),
        "cg_root_W": jax.random.normal(ks[7], (D, D), dtype=jnp.float32) * s,
        "fc1_W": jax.random.normal(ks[8], (D, D), dtype=jnp.float32) * s,
        "fc1_b": jnp.zeros((D,), dtype=jnp.float32),
        "fc2_W": jax.random.normal(ks[9], (D, C), dtype=jnp.float32) * s,
        "fc2_b": jnp.zeros((C,), dtype=jnp.float32),
    }


def reference(x, edge_index, batch, le_lin1_W, le_lin1_b, le_lin2_W, le_lin3_W,
              le_lin3_b, cg_out_W, cg_out_b, cg_root_W, fc1_W, fc1_b, fc2_W, fc2_b):
    n = x.shape[0]
    src = edge_index[0]
    dst = edge_index[1]
    # ---- LEConv: out_i = lin3(x_i) + sum_{j in N(i)} (lin1(x)_i - lin2(x)_j) ----
    a = x @ le_lin1_W + le_lin1_b
    b = x @ le_lin2_W
    msg = a[dst] - b[src]
    agg = jnp.zeros((n, D), dtype=x.dtype).at[dst].add(msg)
    h1 = jax.nn.relu(agg + (x @ le_lin3_W + le_lin3_b))
    # ---- ClusterGCNConv (diag_lambda=0): remove self loops, add self loops ----
    keep = (src != dst).astype(x.dtype)
    deg = jnp.zeros((n,), dtype=x.dtype).at[dst].add(keep) + 1.0
    deg_inv = 1.0 / jnp.clip(deg, 1.0, None)
    ew = deg_inv[dst] * keep
    agg2 = jnp.zeros((n, D), dtype=x.dtype).at[dst].add(ew[:, None] * h1[src])
    agg2 = agg2 + deg_inv[:, None] * h1
    h2 = agg2 @ cg_out_W + cg_out_b + h1 @ cg_root_W
    h3 = jax.nn.relu(h2)
    # ---- global mean pool over batch ids ----
    sums = jax.ops.segment_sum(h3, batch, num_segments=G)
    cnts = jax.ops.segment_sum(jnp.ones((n,), dtype=x.dtype), batch, num_segments=G)
    pooled = sums / jnp.clip(cnts, 1.0, None)[:, None]
    # ---- MLP head ----
    h4 = jax.nn.relu(pooled @ fc1_W + fc1_b)
    out = h4 @ fc2_W + fc2_b
    return out

if __name__ == "__main__":
    import jax
    _d = setup_inputs()
    print(jax.jit(kernel)(*tuple(_d.values())))

</pallas_src>

<mosaic_0001>
#map = affine_map<(d0, d1) -> (0, 0)>
#map1 = affine_map<(d0, d1) -> (0)>
#map2 = affine_map<(d0, d1) -> (0, 0, 0)>
module attributes {stable_mosaic.version = 14 : i64} {
  func.func @agg(%arg0: i32, %arg1: i32, %arg2: memref<10000x128xf32, #tpu.memory_space<hbm>>, %arg3: memref<640000xi32, #tpu.memory_space<hbm>>, %arg4: memref<2x10240x128xf32, #tpu.memory_space<hbm>>, %arg5: memref<32x10000xi32, #tpu.memory_space<hbm>>, %arg6: memref<10000xi32, #tpu.memory_space<vmem>>, %arg7: memref<80xi32, #tpu.memory_space<vmem>>, %arg8: memref<80xi32, #tpu.memory_space<vmem>>, %arg9: memref<80x128xf32, #tpu.memory_space<vmem>>, %arg10: memref<80x128xf32, #tpu.memory_space<vmem>>, %arg11: memref<10240x128xf32, #tpu.memory_space<vmem_shared>>, %arg12: memref<!tpu.dma_semaphore, #tpu.memory_space<semaphore_mem>>, %arg13: memref<!tpu.dma_semaphore, #tpu.memory_space<semaphore_mem>>, %arg14: memref<!tpu.dma_semaphore, #tpu.memory_space<semaphore_mem>>, %arg15: memref<!tpu.dma_semaphore, #tpu.memory_space<semaphore_mem>>, %arg16: memref<10000xi32, #tpu.memory_space<vmem>>) attributes {dimension_semantics = [#tpu.dimension_semantics<core_parallel>, #tpu.dimension_semantics<subcore_parallel>], iteration_bounds = array<i64: 2, 16>, scalar_prefetch = 0 : i64, scratch_operands = 11 : i64, tpu.core_type = #tpu.core_type<sc_vector_subcore>, window_params = [{transform_indices = #map}, {transform_indices = #map1}, {transform_indices = #map2}, {transform_indices = #map}]} {
    %mul3A = arith.constant 16 : i32
    %mul3A_0 = arith.muli %arg0, %mul3A : i32
    %add3A = arith.addi %mul3A_0, %arg1 : i32
    %mul3A_1 = arith.constant 10000 : i32
    %mul3A_2 = arith.muli %add3A, %mul3A_1 : i32
    %broadcast_in_dim3A = arith.constant 0.000000e+00 : f32
    %broadcast_in_dim3A_3 = vector.broadcast %broadcast_in_dim3A : f32 to vector<16xf32>
    %broadcast_in_dim3A_4 = arith.constant 0 : i32
    %broadcast_in_dim3A_5 = vector.broadcast %broadcast_in_dim3A_4 : i32 to vector<16xi32>
    %scan3A = arith.constant 0 : i32
    %scan3A_6 = arith.constant 0 : i32
    %scan3A_7 = arith.constant 640 : i32
    %scan3A_8 = arith.addi %scan3A_6, %scan3A_7 : i32
    %scan3A_9 = arith.constant 1 : i32
    scf.for %scan3A_50 = %scan3A_6 to %scan3A_8 step %scan3A_9  : i32 {
      %jit3A = arith.constant 8 : i32
      %div3A = arith.divsi %scan3A_50, %jit3A : i32
      %sign3A = arith.constant 0 : i32
      %sign3A_51 = arith.cmpi sgt, %scan3A_50, %sign3A : i32
      %sign3A_52 = arith.extui %sign3A_51 : i1 to i32
      %sign3A_53 = arith.constant 0 : i32
      %sign3A_54 = arith.cmpi slt, %scan3A_50, %sign3A_53 : i32
      %sign3A_55 = arith.extui %sign3A_54 : i1 to i32
      %sign3A_56 = arith.subi %sign3A_52, %sign3A_55 : i32
      %sign3A_57 = arith.constant 0 : i32
      %sign3A_58 = arith.cmpi sgt, %jit3A, %sign3A_57 : i32
      %sign3A_59 = arith.extui %sign3A_58 : i1 to i32
      %sign3A_60 = arith.constant 0 : i32
      %sign3A_61 = arith.cmpi slt, %jit3A, %sign3A_60 : i32
      %sign3A_62 = arith.extui %sign3A_61 : i1 to i32
      %sign3A_63 = arith.subi %sign3A_59, %sign3A_62 : i32
      %ne3A = arith.cmpi ne, %sign3A_56, %sign3A_63 : i32
      %rem3A = arith.remsi %scan3A_50, %jit3A : i32
      %ne3A_64 = arith.constant 0 : i32
      %ne3A_65 = arith.cmpi ne, %rem3A, %ne3A_64 : i32
      %and3A = arith.andi %ne3A, %ne3A_65 : i1
      %sub3A = arith.constant 1 : i32
      %sub3A_66 = arith.subi %div3A, %sub3A : i32
      %select_n3A = arith.select %and3A, %sub3A_66, %div3A : i32
      %jit3A_67 = arith.constant 8 : i32
      %eq3A = arith.constant 0 : i32
      %eq3A_68 = arith.cmpi eq, %jit3A_67, %eq3A : i32
      %jit3A_69 = arith.constant 1 : i32
      %select_n3A_70 = arith.select %eq3A_68, %jit3A_69, %jit3A_67 : i32
      %rem3A_71 = arith.remsi %scan3A_50, %select_n3A_70 : i32
      %ne3A_72 = arith.constant 0 : i32
      %ne3A_73 = arith.cmpi ne, %rem3A_71, %ne3A_72 : i32
      %lt3A = arith.constant 0 : i32
      %lt3A_74 = arith.cmpi slt, %rem3A_71, %lt3A : i32
      %lt3A_75 = arith.constant 0 : i32
      %lt3A_76 = arith.cmpi slt, %select_n3A_70, %lt3A_75 : i32
      %ne3A_77 = arith.xori %lt3A_74, %lt3A_76 : i1
      %and3A_78 = arith.andi %ne3A_77, %ne3A_73 : i1
      %add3A_79 = arith.addi %rem3A_71, %select_n3A_70 : i32
      %select_n3A_80 = arith.select %and3A_78, %add3A_79, %rem3A_71 : i32
      %mul3A_81 = arith.constant 16 : i32
      %mul3A_82 = arith.muli %select_n3A_80, %mul3A_81 : i32
      %swap3A = arith.index_cast %select_n3A : i32 to index
      %swap3A_83 = arith.index_cast %mul3A_82 : i32 to index
      %swap3A_84 = tpu.vector_load %arg9[%swap3A, %swap3A_83] {strides = array<i32>} : memref<80x128xf32, #tpu.memory_space<vmem>>, vector<16xf32>,
      tpu.vector_store %arg9[%swap3A, %swap3A_83], %broadcast_in_dim3A_3 {strides = array<i32>} : memref<80x128xf32, #tpu.memory_space<vmem>>, vector<16xf32>,
    }
    %scan3A_10 = arith.constant 640 : i32
    %mul3A_11 = arith.constant 640 : i32
    %mul3A_12 = arith.muli %arg1, %mul3A_11 : i32
    %add3A_13 = arith.constant 0 : i32
    %add3A_14 = arith.addi %mul3A_12, %add3A_13 : i32
    "tpu.region"() ({
      %run_scoped3A = tpu.sem_alloc : memref<!tpu.dma_semaphore, #tpu.memory_space<semaphore_mem>>
      %dma_start3A_50 = arith.constant 0 : i32
      %dma_start3A_51 = tpu.memref_slice %arg11[%add3A_14, %dma_start3A_50] : memref<10240x128xf32, #tpu.memory_space<vmem_shared>> -> memref<80x128xf32, #tpu.memory_space<vmem_shared>>
      %dma_start3A_52 = arith.constant 0 : i32
      %dma_start3A_53 = tpu.memref_slice %arg11[%add3A_14, %dma_start3A_52] : memref<10240x128xf32, #tpu.memory_space<vmem_shared>> -> memref<80x128xf32, #tpu.memory_space<vmem_shared>>
      tpu.enqueue_dma source(%arg9 : memref<80x128xf32, #tpu.memory_space<vmem>>) target(%dma_start3A_53 : memref<80x128xf32, #tpu.memory_space<vmem_shared>>) target_semaphore(%run_scoped3A : memref<!tpu.dma_semaphore, #tpu.memory_space<semaphore_mem>>)
      %dma_wait3A = arith.constant 0 : i32
      %dma_wait3A_54 = tpu.memref_slice %arg11[%add3A_14, %dma_wait3A] : memref<10240x128xf32, #tpu.memory_space<vmem_shared>> -> memref<80x128xf32, #tpu.memory_space<vmem_shared>>
      %dma_wait3A_55 = arith.constant 0 : i32
      %dma_wait3A_56 = tpu.memref_slice %arg11[%add3A_14, %dma_wait3A_55] : memref<10240x128xf32, #tpu.memory_space<vmem_shared>> -> memref<80x128xf32, #tpu.memory_space<vmem_shared>>
      tpu.wait_dma2 semaphore(%run_scoped3A : memref<!tpu.dma_semaphore, #tpu.memory_space<semaphore_mem>>) src(%arg9 : memref<80x128xf32, #tpu.memory_space<vmem>>) dst(%dma_wait3A_56 : memref<80x128xf32, #tpu.memory_space<vmem_shared>>)
      tpu.yield
    }) : () -> ()
    %add3A_15 = arith.constant 80 : i32
    %add3A_16 = arith.addi %mul3A_12, %add3A_15 : i32
    "tpu.region"() ({
      %run_scoped3A = tpu.sem_alloc : memref<!tpu.dma_semaphore, #tpu.memory_space<semaphore_mem>>
      %dma_start3A_50 = arith.constant 0 : i32
      %dma_start3A_51 = tpu.memref_slice %arg11[%add3A_16, %dma_start3A_50] : memref<10240x128xf32, #tpu.memory_space<vmem_shared>> -> memref<80x128xf32, #tpu.memory_space<vmem_shared>>
      %dma_start3A_52 = arith.constant 0 : i32
      %dma_start3A_53 = tpu.memref_slice %arg11[%add3A_16, %dma_start3A_52] : memref<10240x128xf32, #tpu.memory_space<vmem_shared>> -> memref<80x128xf32, #tpu.memory_space<vmem_shared>>
      tpu.enqueue_dma source(%arg9 : memref<80x128xf32, #tpu.memory_space<vmem>>) target(%dma_start3A_53 : memref<80x128xf32, #tpu.memory_space<vmem_shared>>) target_semaphore(%run_scoped3A : memref<!tpu.dma_semaphore, #tpu.memory_space<semaphore_mem>>)
      %dma_wait3A = arith.constant 0 : i32
      %dma_wait3A_54 = tpu.memref_slice %arg11[%add3A_16, %dma_wait3A] : memref<10240x128xf32, #tpu.memory_space<vmem_shared>> -> memref<80x128xf32, #tpu.memory_space<vmem_shared>>
      %dma_wait3A_55 = arith.constant 0 : i32
      %dma_wait3A_56 = tpu.memref_slice %arg11[%add3A_16, %dma_wait3A_55] : memref<10240x128xf32, #tpu.memory_space<vmem_shared>> -> memref<80x128xf32, #tpu.memory_space<vmem_shared>>
      tpu.wait_dma2 semaphore(%run_scoped3A : memref<!tpu.dma_semaphore, #tpu.memory_space<semaphore_mem>>) src(%arg9 : memref<80x128xf32, #tpu.memory_space<vmem>>) dst(%dma_wait3A_56 : memref<80x128xf32, #tpu.memory_space<vmem_shared>>)
      tpu.yield
    }) : () -> ()
    %add3A_17 = arith.constant 160 : i32
    %add3A_18 = arith.addi %mul3A_12, %add3A_17 : i32
    "tpu.region"() ({
      %run_scoped3A = tpu.sem_alloc : memref<!tpu.dma_semaphore, #tpu.memory_space<semaphore_mem>>
      %dma_start3A_50 = arith.constant 0 : i32
      %dma_start3A_51 = tpu.memref_slice %arg11[%add3A_18, %dma_start3A_50] : memref<10240x128xf32, #tpu.memory_space<vmem_shared>> -> memref<80x128xf32, #tpu.memory_space<vmem_shared>>
      %dma_start3A_52 = arith.constant 0 : i32
      %dma_start3A_53 = tpu.memref_slice %arg11[%add3A_18, %dma_start3A_52] : memref<10240x128xf32, #tpu.memory_space<vmem_shared>> -> memref<80x128xf32, #tpu.memory_space<vmem_shared>>
      tpu.enqueue_dma source(%arg9 : memref<80x128xf32, #tpu.memory_space<vmem>>) target(%dma_start3A_53 : memref<80x128xf32, #tpu.memory_space<vmem_shared>>) target_semaphore(%run_scoped3A : memref<!tpu.dma_semaphore, #tpu.memory_space<semaphore_mem>>)
      %dma_wait3A = arith.constant 0 : i32
      %dma_wait3A_54 = tpu.memref_slice %arg11[%add3A_18, %dma_wait3A] : memref<10240x128xf32, #tpu.memory_space<vmem_shared>> -> memref<80x128xf32, #tpu.memory_space<vmem_shared>>
      %dma_wait3A_55 = arith.constant 0 : i32
      %dma_wait3A_56 = tpu.memref_slice %arg11[%add3A_18, %dma_wait3A_55] : memref<10240x128xf32, #tpu.memory_space<vmem_shared>> -> memref<80x128xf32, #tpu.memory_space<vmem_shared>>
      tpu.wait_dma2 semaphore(%run_scoped3A : memref<!tpu.dma_semaphore, #tpu.memory_space<semaphore_mem>>) src(%arg9 : memref<80x128xf32, #tpu.memory_space<vmem>>) dst(%dma_wait3A_56 : memref<80x128xf32, #tpu.memory_space<vmem_shared>>)
      tpu.yield
    }) : () -> ()
    %add3A_19 = arith.constant 240 : i32
    %add3A_20 = arith.addi %mul3A_12, %add3A_19 : i32
    "tpu.region"() ({
      %run_scoped3A = tpu.sem_alloc : memref<!tpu.dma_semaphore, #tpu.memory_space<semaphore_mem>>
      %dma_start3A_50 = arith.constant 0 : i32
      %dma_start3A_51 = tpu.memref_slice %arg11[%add3A_20, %dma_start3A_50] : memref<10240x128xf32, #tpu.memory_space<vmem_shared>> -> memref<80x128xf32, #tpu.memory_space<vmem_shared>>
      %dma_start3A_52 = arith.constant 0 : i32
      %dma_start3A_53 = tpu.memref_slice %arg11[%add3A_20, %dma_start3A_52] : memref<10240x128xf32, #tpu.memory_space<vmem_shared>> -> memref<80x128xf32, #tpu.memory_space<vmem_shared>>
      tpu.enqueue_dma source(%arg9 : memref<80x128xf32, #tpu.memory_space<vmem>>) target(%dma_start3A_53 : memref<80x128xf32, #tpu.memory_space<vmem_shared>>) target_semaphore(%run_scoped3A : memref<!tpu.dma_semaphore, #tpu.memory_space<semaphore_mem>>)
      %dma_wait3A = arith.constant 0 : i32
      %dma_wait3A_54 = tpu.memref_slice %arg11[%add3A_20, %dma_wait3A] : memref<10240x128xf32, #tpu.memory_space<vmem_shared>> -> memref<80x128xf32, #tpu.memory_space<vmem_shared>>
      %dma_wait3A_55 = arith.constant 0 : i32
      %dma_wait3A_56 = tpu.memref_slice %arg11[%add3A_20, %dma_wait3A_55] : memref<10240x128xf32, #tpu.memory_space<vmem_shared>> -> memref<80x128xf32, #tpu.memory_space<vmem_shared>>
      tpu.wait_dma2 semaphore(%run_scoped3A : memref<!tpu.dma_semaphore, #tpu.memory_space<semaphore_mem>>) src(%arg9 : memref<80x128xf32, #tpu.memory_space<vmem>>) dst(%dma_wait3A_56 : memref<80x128xf32, #tpu.memory_space<vmem_shared>>)
      tpu.yield
    }) : () -> ()
    %add3A_21 = arith.constant 320 : i32
    %add3A_22 = arith.addi %mul3A_12, %add3A_21 : i32
    "tpu.region"() ({
      %run_scoped3A = tpu.sem_alloc : memref<!tpu.dma_semaphore, #tpu.memory_space<semaphore_mem>>
      %dma_start3A_50 = arith.constant 0 : i32
      %dma_start3A_51 = tpu.memref_slice %arg11[%add3A_22, %dma_start3A_50] : memref<10240x128xf32, #tpu.memory_space<vmem_shared>> -> memref<80x128xf32, #tpu.memory_space<vmem_shared>>
      %dma_start3A_52 = arith.constant 0 : i32
      %dma_start3A_53 = tpu.memref_slice %arg11[%add3A_22, %dma_start3A_52] : memref<10240x128xf32, #tpu.memory_space<vmem_shared>> -> memref<80x128xf32, #tpu.memory_space<vmem_shared>>
      tpu.enqueue_dma source(%arg9 : memref<80x128xf32, #tpu.memory_space<vmem>>) target(%dma_start3A_53 : memref<80x128xf32, #tpu.memory_space<vmem_shared>>) target_semaphore(%run_scoped3A : memref<!tpu.dma_semaphore, #tpu.memory_space<semaphore_mem>>)
      %dma_wait3A = arith.constant 0 : i32
      %dma_wait3A_54 = tpu.memref_slice %arg11[%add3A_22, %dma_wait3A] : memref<10240x128xf32, #tpu.memory_space<vmem_shared>> -> memref<80x128xf32, #tpu.memory_space<vmem_shared>>
      %dma_wait3A_55 = arith.constant 0 : i32
      %dma_wait3A_56 = tpu.memref_slice %arg11[%add3A_22, %dma_wait3A_55] : memref<10240x128xf32, #tpu.memory_space<vmem_shared>> -> memref<80x128xf32, #tpu.memory_space<vmem_shared>>
      tpu.wait_dma2 semaphore(%run_scoped3A : memref<!tpu.dma_semaphore, #tpu.memory_space<semaphore_mem>>) src(%arg9 : memref<80x128xf32, #tpu.memory_space<vmem>>) dst(%dma_wait3A_56 : memref<80x128xf32, #tpu.memory_space<vmem_shared>>)
      tpu.yield
    }) : () -> ()
    %add3A_23 = arith.constant 400 : i32
    %add3A_24 = arith.addi %mul3A_12, %add3A_23 : i32
    "tpu.region"() ({
      %run_scoped3A = tpu.sem_alloc : memref<!tpu.dma_semaphore, #tpu.memory_space<semaphore_mem>>
      %dma_start3A_50 = arith.constant 0 : i32
      %dma_start3A_51 = tpu.memref_slice %arg11[%add3A_24, %dma_start3A_50] : memref<10240x128xf32, #tpu.memory_space<vmem_shared>> -> memref<80x128xf32, #tpu.memory_space<vmem_shared>>
      %dma_start3A_52 = arith.constant 0 : i32
      %dma_start3A_53 = tpu.memref_slice %arg11[%add3A_24, %dma_start3A_52] : memref<10240x128xf32, #tpu.memory_space<vmem_shared>> -> memref<80x128xf32, #tpu.memory_space<vmem_shared>>
      tpu.enqueue_dma source(%arg9 : memref<80x128xf32, #tpu.memory_space<vmem>>) target(%dma_start3A_53 : memref<80x128xf32, #tpu.memory_space<vmem_shared>>) target_semaphore(%run_scoped3A : memref<!tpu.dma_semaphore, #tpu.memory_space<semaphore_mem>>)
      %dma_wait3A = arith.constant 0 : i32
      %dma_wait3A_54 = tpu.memref_slice %arg11[%add3A_24, %dma_wait3A] : memref<10240x128xf32, #tpu.memory_space<vmem_shared>> -> memref<80x128xf32, #tpu.memory_space<vmem_shared>>
      %dma_wait3A_55 = arith.constant 0 : i32
      %dma_wait3A_56 = tpu.memref_slice %arg11[%add3A_24, %dma_wait3A_55] : memref<10240x128xf32, #tpu.memory_space<vmem_shared>> -> memref<80x128xf32, #tpu.memory_space<vmem_shared>>
      tpu.wait_dma2 semaphore(%run_scoped3A : memref<!tpu.dma_semaphore, #tpu.memory_space<semaphore_mem>>) src(%arg9 : memref<80x128xf32, #tpu.memory_space<vmem>>) dst(%dma_wait3A_56 : memref<80x128xf32, #tpu.memory_space<vmem_shared>>)
      tpu.yield
    }) : () -> ()
    %add3A_25 = arith.constant 480 : i32
    %add3A_26 = arith.addi %mul3A_12, %add3A_25 : i32
    "tpu.region"() ({
      %run_scoped3A = tpu.sem_alloc : memref<!tpu.dma_semaphore, #tpu.memory_space<semaphore_mem>>
      %dma_start3A_50 = arith.constant 0 : i32
      %dma_start3A_51 = tpu.memref_slice %arg11[%add3A_26, %dma_start3A_50] : memref<10240x128xf32, #tpu.memory_space<vmem_shared>> -> memref<80x128xf32, #tpu.memory_space<vmem_shared>>
      %dma_start3A_52 = arith.constant 0 : i32
      %dma_start3A_53 = tpu.memref_slice %arg11[%add3A_26, %dma_start3A_52] : memref<10240x128xf32, #tpu.memory_space<vmem_shared>> -> memref<80x128xf32, #tpu.memory_space<vmem_shared>>
      tpu.enqueue_dma source(%arg9 : memref<80x128xf32, #tpu.memory_space<vmem>>) target(%dma_start3A_53 : memref<80x128xf32, #tpu.memory_space<vmem_shared>>) target_semaphore(%run_scoped3A : memref<!tpu.dma_semaphore, #tpu.memory_space<semaphore_mem>>)
      %dma_wait3A = arith.constant 0 : i32
      %dma_wait3A_54 = tpu.memref_slice %arg11[%add3A_26, %dma_wait3A] : memref<10240x128xf32, #tpu.memory_space<vmem_shared>> -> memref<80x128xf32, #tpu.memory_space<vmem_shared>>
      %dma_wait3A_55 = arith.constant 0 : i32
      %dma_wait3A_56 = tpu.memref_slice %arg11[%add3A_26, %dma_wait3A_55] : memref<10240x128xf32, #tpu.memory_space<vmem_shared>> -> memref<80x128xf32, #tpu.memory_space<vmem_shared>>
      tpu.wait_dma2 semaphore(%run_scoped3A : memref<!tpu.dma_semaphore, #tpu.memory_space<semaphore_mem>>) src(%arg9 : memref<80x128xf32, #tpu.memory_space<vmem>>) dst(%dma_wait3A_56 : memref<80x128xf32, #tpu.memory_space<vmem_shared>>)
      tpu.yield
    }) : () -> ()
    %add3A_27 = arith.constant 560 : i32
    %add3A_28 = arith.addi %mul3A_12, %add3A_27 : i32
    "tpu.region"() ({
      %run_scoped3A = tpu.sem_alloc : memref<!tpu.dma_semaphore, #tpu.memory_space<semaphore_mem>>
      %dma_start3A_50 = arith.constant 0 : i32
      %dma_start3A_51 = tpu.memref_slice %arg11[%add3A_28, %dma_start3A_50] : memref<10240x128xf32, #tpu.memory_space<vmem_shared>> -> memref<80x128xf32, #tpu.memory_space<vmem_shared>>
      %dma_start3A_52 = arith.constant 0 : i32
      %dma_start3A_53 = tpu.memref_slice %arg11[%add3A_28, %dma_start3A_52] : memref<10240x128xf32, #tpu.memory_space<vmem_shared>> -> memref<80x128xf32, #tpu.memory_space<vmem_shared>>
      tpu.enqueue_dma source(%arg9 : memref<80x128xf32, #tpu.memory_space<vmem>>) target(%dma_start3A_53 : memref<80x128xf32, #tpu.memory_space<vmem_shared>>) target_semaphore(%run_scoped3A : memref<!tpu.dma_semaphore, #tpu.memory_space<semaphore_mem>>)
      %dma_wait3A = arith.constant 0 : i32
      %dma_wait3A_54 = tpu.memref_slice %arg11[%add3A_28, %dma_wait3A] : memref<10240x128xf32, #tpu.memory_space<vmem_shared>> -> memref<80x128xf32, #tpu.memory_space<vmem_shared>>
      %dma_wait3A_55 = arith.constant 0 : i32
      %dma_wait3A_56 = tpu.memref_slice %arg11[%add3A_28, %dma_wait3A_55] : memref<10240x128xf32, #tpu.memory_space<vmem_shared>> -> memref<80x128xf32, #tpu.memory_space<vmem_shared>>
      tpu.wait_dma2 semaphore(%run_scoped3A : memref<!tpu.dma_semaphore, #tpu.memory_space<semaphore_mem>>) src(%arg9 : memref<80x128xf32, #tpu.memory_space<vmem>>) dst(%dma_wait3A_56 : memref<80x128xf32, #tpu.memory_space<vmem_shared>>)
      tpu.yield
    }) : () -> ()
    %scan3A_29 = arith.constant 0 : i32
    %scan3A_30 = arith.constant 0 : i32
    %scan3A_31 = arith.constant 625 : i32
    %scan3A_32 = arith.addi %scan3A_30, %scan3A_31 : i32
    %scan3A_33 = arith.constant 1 : i32
    scf.for %scan3A_50 = %scan3A_30 to %scan3A_32 step %scan3A_33  : i32 {
      %mul3A_51 = arith.constant 16 : i32
      %mul3A_52 = arith.muli %scan3A_50, %mul3A_51 : i32
      %swap3A = arith.index_cast %mul3A_52 : i32 to index
      %swap3A_53 = tpu.vector_load %arg16[%swap3A] {strides = array<i32>} : memref<10000xi32, #tpu.memory_space<vmem>>, vector<16xi32>,
      tpu.vector_store %arg16[%swap3A], %broadcast_in_dim3A_5 {strides = array<i32>} : memref<10000xi32, #tpu.memory_space<vmem>>, vector<16xi32>,
    }
    %scan3A_34 = arith.constant 625 : i32
    %barrier3A = arith.constant 0 : index
    tpu.barrier barrier_id(%barrier3A)
    "tpu.region"() ({
      %run_scoped3A = tpu.sem_alloc : memref<!tpu.dma_semaphore, #tpu.memory_space<semaphore_mem>>
      %dma_start3A_50 = tpu.memref_slice %arg3[%mul3A_2] : memref<640000xi32, #tpu.memory_space<hbm>> -> memref<10000xi32, #tpu.memory_space<hbm>>
      %dma_start3A_51 = tpu.memref_slice %arg3[%mul3A_2] : memref<640000xi32, #tpu.memory_space<hbm>> -> memref<10000xi32, #tpu.memory_space<hbm>>
      tpu.enqueue_dma source(%dma_start3A_51 : memref<10000xi32, #tpu.memory_space<hbm>>) target(%arg6 : memref<10000xi32, #tpu.memory_space<vmem>>) target_semaphore(%run_scoped3A : memref<!tpu.dma_semaphore, #tpu.memory_space<semaphore_mem>>)
      %dma_wait3A = tpu.memref_slice %arg3[%mul3A_2] : memref<640000xi32, #tpu.memory_space<hbm>> -> memref<10000xi32, #tpu.memory_space<hbm>>
      %dma_wait3A_52 = tpu.memref_slice %arg3[%mul3A_2] : memref<640000xi32, #tpu.memory_space<hbm>> -> memref<10000xi32, #tpu.memory_space<hbm>>
      tpu.wait_dma2 semaphore(%run_scoped3A : memref<!tpu.dma_semaphore, #tpu.memory_space<semaphore_mem>>) src(%dma_wait3A_52 : memref<10000xi32, #tpu.memory_space<hbm>>) dst(%arg6 : memref<10000xi32, #tpu.memory_space<vmem>>)
      tpu.yield
    }) : () -> ()
    %add3A_35 = arith.constant 320000 : i32
    %add3A_36 = arith.addi %add3A_35, %mul3A_2 : i32
    %dma_start3A = tpu.memref_slice %arg3[%add3A_36] : memref<640000xi32, #tpu.memory_space<hbm>> -> memref<80xi32, #tpu.memory_space<hbm>>
    %dma_start3A_37 = tpu.memref_slice %arg3[%add3A_36] : memref<640000xi32, #tpu.memory_space<hbm>> -> memref<80xi32, #tpu.memory_space<hbm>>
    tpu.enqueue_dma source(%dma_start3A_37 : memref<80xi32, #tpu.memory_space<hbm>>) target(%arg7 : memref<80xi32, #tpu.memory_space<vmem>>) target_semaphore(%arg14 : memref<!tpu.dma_semaphore, #tpu.memory_space<semaphore_mem>>)
    %dma_start3A_38 = arith.constant 0 : i32
    %dma_start3A_39 = tpu.memref_slice %arg6[%dma_start3A_38] : memref<10000xi32, #tpu.memory_space<vmem>> -> memref<80xi32, #tpu.memory_space<vmem>>
    %dma_start3A_40 = arith.constant 0 : i32
    %dma_start3A_41 = arith.constant 0 : i32
    %dma_start3A_42 = tpu.memref_slice %arg2[%dma_start3A_40, %dma_start3A_41] : memref<10000x128xf32, #tpu.memory_space<hbm>> -> memref<10000x128xf32, #tpu.memory_space<hbm>>
    tpu.enqueue_indirect_dma source(%dma_start3A_42 : memref<10000x128xf32, #tpu.memory_space<hbm>>) target(%arg9 : memref<80x128xf32, #tpu.memory_space<vmem>>) offsets(%dma_start3A_39 : memref<80xi32, #tpu.memory_space<vmem>>) semaphore(%arg12 : memref<!tpu.dma_semaphore, #tpu.memory_space<semaphore_mem>>)
    %scan3A_43 = arith.constant 0 : i32
    %scan3A_44 = arith.constant 0 : i32
    %scan3A_45 = arith.constant 63 : i32
    %scan3A_46 = arith.addi %scan3A_44, %scan3A_45 : i32
    %scan3A_47 = arith.constant 1 : i32
    scf.for %scan3A_50 = %scan3A_44 to %scan3A_46 step %scan3A_47  : i32 {
      %mul3A_51 = arith.constant 2 : i32
      %mul3A_52 = arith.muli %mul3A_51, %scan3A_50 : i32
      %add3A_53 = arith.constant 1 : i32
      %add3A_54 = arith.addi %mul3A_52, %add3A_53 : i32
      %lt3A = arith.constant 125 : i32
      %lt3A_55 = arith.cmpi slt, %add3A_54, %lt3A : i32
      %convert_element_type3A = arith.extui %lt3A_55 : i1 to i32
      %cond3A = arith.constant 0 : i32
      %cond3A_56 = arith.cmpi ne, %convert_element_type3A, %cond3A : i32
      scf.if %cond3A_56 {
        %add3A_141 = arith.constant 320000 : i32
        %add3A_142 = arith.addi %add3A_141, %mul3A_2 : i32
        %add3A_143 = arith.constant 1 : i32
        %add3A_144 = arith.addi %mul3A_52, %add3A_143 : i32
        %mul3A_145 = arith.constant 80 : i32
        %mul3A_146 = arith.muli %add3A_144, %mul3A_145 : i32
        %add3A_147 = arith.addi %add3A_142, %mul3A_146 : i32
        %dma_start3A_148 = tpu.memref_slice %arg3[%add3A_147] : memref<640000xi32, #tpu.memory_space<hbm>> -> memref<80xi32, #tpu.memory_space<hbm>>
        %dma_start3A_149 = tpu.memref_slice %arg3[%add3A_147] : memref<640000xi32, #tpu.memory_space<hbm>> -> memref<80xi32, #tpu.memory_space<hbm>>
        tpu.enqueue_dma source(%dma_start3A_149 : memref<80xi32, #tpu.memory_space<hbm>>) target(%arg8 : memref<80xi32, #tpu.memory_space<vmem>>) target_semaphore(%arg15 : memref<!tpu.dma_semaphore, #tpu.memory_space<semaphore_mem>>)
        %add3A_150 = arith.constant 1 : i32
        %add3A_151 = arith.addi %mul3A_52, %add3A_150 : i32
        %mul3A_152 = arith.constant 80 : i32
        %mul3A_153 = arith.muli %add3A_151, %mul3A_152 : i32
        %dma_start3A_154 = tpu.memref_slice %arg6[%mul3A_153] : memref<10000xi32, #tpu.memory_space<vmem>> -> memref<80xi32, #tpu.memory_space<vmem>>
        %dma_start3A_155 = arith.constant 0 : i32
        %dma_start3A_156 = arith.constant 0 : i32
        %dma_start3A_157 = tpu.memref_slice %arg2[%dma_start3A_155, %dma_start3A_156] : memref<10000x128xf32, #tpu.memory_space<hbm>> -> memref<10000x128xf32, #tpu.memory_space<hbm>>
        tpu.enqueue_indirect_dma source(%dma_start3A_157 : memref<10000x128xf32, #tpu.memory_space<hbm>>) target(%arg10 : memref<80x128xf32, #tpu.memory_space<vmem>>) offsets(%dma_start3A_154 : memref<80xi32, #tpu.memory_space<vmem>>) semaphore(%arg13 : memref<!tpu.dma_semaphore, #tpu.memory_space<semaphore_mem>>)
      } else {
      }
      %dma_wait3A = arith.constant 0 : i32
      %dma_wait3A_57 = tpu.memref_slice %arg3[%dma_wait3A] : memref<640000xi32, #tpu.memory_space<hbm>> -> memref<80xi32, #tpu.memory_space<hbm>>
      %dma_wait3A_58 = arith.constant 0 : i32
      %dma_wait3A_59 = tpu.memref_slice %arg3[%dma_wait3A_58] : memref<640000xi32, #tpu.memory_space<hbm>> -> memref<80xi32, #tpu.memory_space<hbm>>
      tpu.wait_dma2 semaphore(%arg14 : memref<!tpu.dma_semaphore, #tpu.memory_space<semaphore_mem>>) src(%dma_wait3A_59 : memref<80xi32, #tpu.memory_space<hbm>>) dst(%arg7 : memref<80xi32, #tpu.memory_space<vmem>>)
      %get3A = arith.constant 0 : index
      %get3A_60 = tpu.vector_load %arg7[%get3A] {strides = array<i32>} : memref<80xi32, #tpu.memory_space<vmem>>, vector<16xi32>,
      %mul3A_61 = arith.constant 80 : i32
      %mul3A_62 = arith.muli %mul3A_52, %mul3A_61 : i32
      %add3A_63 = arith.constant 0 : i32
      %add3A_64 = arith.addi %mul3A_62, %add3A_63 : i32
      %get3A_65 = arith.index_cast %add3A_64 : i32 to index
      %get3A_66 = tpu.vector_load %arg6[%get3A_65] {strides = array<i32>} : memref<10000xi32, #tpu.memory_space<vmem>>, vector<16xi32>,
      %eq3A = arith.cmpi eq, %get3A_66, %get3A_60 : vector<16xi32>
      %jit3A = arith.constant 16385 : i32
      %jit3A_67 = arith.constant 16384 : i32
      %broadcast_in_dim3A_68 = vector.broadcast %jit3A : i32 to vector<16xi32>
      %broadcast_in_dim3A_69 = vector.broadcast %jit3A_67 : i32 to vector<16xi32>
      %select_n3A = arith.select %eq3A, %broadcast_in_dim3A_68, %broadcast_in_dim3A_69 : vector<16xi1>, vector<16xi32>
      tpu.vector_store_idx %arg16[%get3A_60], %select_n3A {add = true} : memref<10000xi32, #tpu.memory_space<vmem>>[vector<16xi32>], vector<16xi32>,
      %get3A_70 = arith.constant 16 : index
      %get3A_71 = tpu.vector_load %arg7[%get3A_70] {strides = array<i32>} : memref<80xi32, #tpu.memory_space<vmem>>, vector<16xi32>,
      %mul3A_72 = arith.constant 80 : i32
      %mul3A_73 = arith.muli %mul3A_52, %mul3A_72 : i32
      %add3A_74 = arith.constant 16 : i32
      %add3A_75 = arith.addi %mul3A_73, %add3A_74 : i32
      %get3A_76 = arith.index_cast %add3A_75 : i32 to index
      %get3A_77 = tpu.vector_load %arg6[%get3A_76] {strides = array<i32>} : memref<10000xi32, #tpu.memory_space<vmem>>, vector<16xi32>,
      %eq3A_78 = arith.cmpi eq, %get3A_77, %get3A_71 : vector<16xi32>
      %jit3A_79 = arith.constant 16385 : i32
      %jit3A_80 = arith.constant 16384 : i32
      %broadcast_in_dim3A_81 = vector.broadcast %jit3A_79 : i32 to vector<16xi32>
      %broadcast_in_dim3A_82 = vector.broadcast %jit3A_80 : i32 to vector<16xi32>
      %select_n3A_83 = arith.select %eq3A_78, %broadcast_in_dim3A_81, %broadcast_in_dim3A_82 : vector<16xi1>, vector<16xi32>
      tpu.vector_store_idx %arg16[%get3A_71], %select_n3A_83 {add = true} : memref<10000xi32, #tpu.memory_space<vmem>>[vector<16xi32>], vector<16xi32>,
      %get3A_84 = arith.constant 32 : index
      %get3A_85 = tpu.vector_load %arg7[%get3A_84] {strides = array<i32>} : memref<80xi32, #tpu.memory_space<vmem>>, vector<16xi32>,
      %mul3A_86 = arith.constant 80 : i32
      %mul3A_87 = arith.muli %mul3A_52, %mul3A_86 : i32
      %add3A_88 = arith.constant 32 : i32
      %add3A_89 = arith.addi %mul3A_87, %add3A_88 : i32
      %get3A_90 = arith.index_cast %add3A_89 : i32 to index
      %get3A_91 = tpu.vector_load %arg6[%get3A_90] {strides = array<i32>} : memref<10000xi32, #tpu.memory_space<vmem>>, vector<16xi32>,
      %eq3A_92 = arith.cmpi eq, %get3A_91, %get3A_85 : vector<16xi32>
      %jit3A_93 = arith.constant 16385 : i32
      %jit3A_94 = arith.constant 16384 : i32
      %broadcast_in_dim3A_95 = vector.broadcast %jit3A_93 : i32 to vector<16xi32>
      %broadcast_in_dim3A_96 = vector.broadcast %jit3A_94 : i32 to vector<16xi32>
      %select_n3A_97 = arith.select %eq3A_92, %broadcast_in_dim3A_95, %broadcast_in_dim3A_96 : vector<16xi1>, vector<16xi32>
      tpu.vector_store_idx %arg16[%get3A_85], %select_n3A_97 {add = true} : memref<10000xi32, #tpu.memory_space<vmem>>[vector<16xi32>], vector<16xi32>,
      %get3A_98 = arith.constant 48 : index
      %get3A_99 = tpu.vector_load %arg7[%get3A_98] {strides = array<i32>} : memref<80xi32, #tpu.memory_space<vmem>>, vector<16xi32>,
      %mul3A_100 = arith.constant 80 : i32
      %mul3A_101 = arith.muli %mul3A_52, %mul3A_100 : i32
      %add3A_102 = arith.constant 48 : i32
      %add3A_103 = arith.addi %mul3A_101, %add3A_102 : i32
      %get3A_104 = arith.index_cast %add3A_103 : i32 to index
      %get3A_105 = tpu.vector_load %arg6[%get3A_104] {strides = array<i32>} : memref<10000xi32, #tpu.memory_space<vmem>>, vector<16xi32>,
      %eq3A_106 = arith.cmpi eq, %get3A_105, %get3A_99 : vector<16xi32>
      %jit3A_107 = arith.constant 16385 : i32
      %jit3A_108 = arith.constant 16384 : i32
      %broadcast_in_dim3A_109 = vector.broadcast %jit3A_107 : i32 to vector<16xi32>
      %broadcast_in_dim3A_110 = vector.broadcast %jit3A_108 : i32 to vector<16xi32>
      %select_n3A_111 = arith.select %eq3A_106, %broadcast_in_dim3A_109, %broadcast_in_dim3A_110 : vector<16xi1>, vector<16xi32>
      tpu.vector_store_idx %arg16[%get3A_99], %select_n3A_111 {add = true} : memref<10000xi32, #tpu.memory_space<vmem>>[vector<16xi32>], vector<16xi32>,
      %get3A_112 = arith.constant 64 : index
      %get3A_113 = tpu.vector_load %arg7[%get3A_112] {strides = array<i32>} : memref<80xi32, #tpu.memory_space<vmem>>, vector<16xi32>,
      %mul3A_114 = arith.constant 80 : i32
      %mul3A_115 = arith.muli %mul3A_52, %mul3A_114 : i32
      %add3A_116 = arith.constant 64 : i32
      %add3A_117 = arith.addi %mul3A_115, %add3A_116 : i32
      %get3A_118 = arith.index_cast %add3A_117 : i32 to index
      %get3A_119 = tpu.vector_load %arg6[%get3A_118] {strides = array<i32>} : memref<10000xi32, #tpu.memory_space<vmem>>, vector<16xi32>,
      %eq3A_120 = arith.cmpi eq, %get3A_119, %get3A_113 : vector<16xi32>
      %jit3A_121 = arith.constant 16385 : i32
      %jit3A_122 = arith.constant 16384 : i32
      %broadcast_in_dim3A_123 = vector.broadcast %jit3A_121 : i32 to vector<16xi32>
      %broadcast_in_dim3A_124 = vector.broadcast %jit3A_122 : i32 to vector<16xi32>
      %select_n3A_125 = arith.select %eq3A_120, %broadcast_in_dim3A_123, %broadcast_in_dim3A_124 : vector<16xi1>, vector<16xi32>
      tpu.vector_store_idx %arg16[%get3A_113], %select_n3A_125 {add = true} : memref<10000xi32, #tpu.memory_space<vmem>>[vector<16xi32>], vector<16xi32>,
      %dma_wait3A_126 = arith.constant 0 : i32
      %dma_wait3A_127 = arith.constant 0 : i32
      %dma_wait3A_128 = tpu.memref_slice %arg2[%dma_wait3A_126, %dma_wait3A_127] : memref<10000x128xf32, #tpu.memory_space<hbm>> -> memref<80x128xf32, #tpu.memory_space<hbm>>
      %dma_wait3A_129 = arith.constant 0 : i32
      %dma_wait3A_130 = arith.constant 0 : i32
      %dma_wait3A_131 = tpu.memref_slice %arg2[%dma_wait3A_129, %dma_wait3A_130] : memref<10000x128xf32, #tpu.memory_space<hbm>> -> memref<80x128xf32, #tpu.memory_space<hbm>>
      tpu.wait_dma2 semaphore(%arg12 : memref<!tpu.dma_semaphore, #tpu.memory_space<semaphore_mem>>) src(%dma_wait3A_131 : memref<80x128xf32, #tpu.memory_space<hbm>>) dst(%arg9 : memref<80x128xf32, #tpu.memory_space<vmem>>)
      "tpu.region"() ({
        %run_scoped3A = tpu.sem_alloc : memref<!tpu.dma_semaphore, #tpu.memory_space<semaphore_mem>>
        %dma_start3A_141 = arith.constant 0 : i32
        %dma_start3A_142 = arith.constant 0 : i32
        %dma_start3A_143 = tpu.memref_slice %arg11[%dma_start3A_141, %dma_start3A_142] : memref<10240x128xf32, #tpu.memory_space<vmem_shared>> -> memref<10240x128xf32, #tpu.memory_space<vmem_shared>>
        tpu.enqueue_indirect_dma source(%arg9 : memref<80x128xf32, #tpu.memory_space<vmem>>) target(%dma_start3A_143 : memref<10240x128xf32, #tpu.memory_space<vmem_shared>>) offsets(%arg7 : memref<80xi32, #tpu.memory_space<vmem>>) semaphore(%run_scoped3A : memref<!tpu.dma_semaphore, #tpu.memory_space<semaphore_mem>>) {add = true}
        %dma_wait3A_144 = arith.constant 0 : i32
        %dma_wait3A_145 = arith.constant 0 : i32
        %dma_wait3A_146 = tpu.memref_slice %arg11[%dma_wait3A_144, %dma_wait3A_145] : memref<10240x128xf32, #tpu.memory_space<vmem_shared>> -> memref<10240x128xf32, #tpu.memory_space<vmem_shared>>
        tpu.wait_indirect_dma semaphore(%run_scoped3A : memref<!tpu.dma_semaphore, #tpu.memory_space<semaphore_mem>>) src(%arg9 : memref<80x128xf32, #tpu.memory_space<vmem>>) dst(%dma_wait3A_146 : memref<10240x128xf32, #tpu.memory_space<vmem_shared>>)
        tpu.yield
      }) : () -> ()
      %mul3A_132 = arith.constant 2 : i32
      %mul3A_133 = arith.muli %mul3A_132, %scan3A_50 : i32
      %add3A_134 = arith.constant 1 : i32
      %add3A_135 = arith.addi %mul3A_133, %add3A_134 : i32
      %lt3A_136 = arith.constant 125 : i32
      %lt3A_137 = arith.cmpi slt, %add3A_135, %lt3A_136 : i32
      %convert_element_type3A_138 = arith.extui %lt3A_137 : i1 to i32
      %cond3A_139 = arith.constant 0 : i32
      %cond3A_140 = arith.cmpi ne, %convert_element_type3A_138, %cond3A_139 : i32
      scf.if %cond3A_140 {
        %mul3A_141 = arith.constant 2 : i32
        %mul3A_142 = arith.muli %mul3A_141, %scan3A_50 : i32
        %add3A_143 = arith.constant 1 : i32
        %add3A_144 = arith.addi %mul3A_142, %add3A_143 : i32
        %add3A_145 = arith.constant 1 : i32
        %add3A_146 = arith.addi %add3A_144, %add3A_145 : i32
        %lt3A_147 = arith.constant 125 : i32
        %lt3A_148 = arith.cmpi slt, %add3A_146, %lt3A_147 : i32
        %convert_element_type3A_149 = arith.extui %lt3A_148 : i1 to i32
        %cond3A_150 = arith.constant 0 : i32
        %cond3A_151 = arith.cmpi ne, %convert_element_type3A_149, %cond3A_150 : i32
        scf.if %cond3A_151 {
          %add3A_232 = arith.constant 320000 : i32
          %add3A_233 = arith.addi %add3A_232, %mul3A_2 : i32
          %add3A_234 = arith.constant 1 : i32
          %add3A_235 = arith.addi %add3A_144, %add3A_234 : i32
          %mul3A_236 = arith.constant 80 : i32
          %mul3A_237 = arith.muli %add3A_235, %mul3A_236 : i32
          %add3A_238 = arith.addi %add3A_233, %mul3A_237 : i32
          %dma_start3A_239 = tpu.memref_slice %arg3[%add3A_238] : memref<640000xi32, #tpu.memory_space<hbm>> -> memref<80xi32, #tpu.memory_space<hbm>>
          %dma_start3A_240 = tpu.memref_slice %arg3[%add3A_238] : memref<640000xi32, #tpu.memory_space<hbm>> -> memref<80xi32, #tpu.memory_space<hbm>>
          tpu.enqueue_dma source(%dma_start3A_240 : memref<80xi32, #tpu.memory_space<hbm>>) target(%arg7 : memref<80xi32, #tpu.memory_space<vmem>>) target_semaphore(%arg14 : memref<!tpu.dma_semaphore, #tpu.memory_space<semaphore_mem>>)
          %add3A_241 = arith.constant 1 : i32
          %add3A_242 = arith.addi %add3A_144, %add3A_241 : i32
          %mul3A_243 = arith.constant 80 : i32
          %mul3A_244 = arith.muli %add3A_242, %mul3A_243 : i32
          %dma_start3A_245 = tpu.memref_slice %arg6[%mul3A_244] : memref<10000xi32, #tpu.memory_space<vmem>> -> memref<80xi32, #tpu.memory_space<vmem>>
          %dma_start3A_246 = arith.constant 0 : i32
          %dma_start3A_247 = arith.constant 0 : i32
          %dma_start3A_248 = tpu.memref_slice %arg2[%dma_start3A_246, %dma_start3A_247] : memref<10000x128xf32, #tpu.memory_space<hbm>> -> memref<10000x128xf32, #tpu.memory_space<hbm>>
          tpu.enqueue_indirect_dma source(%dma_start3A_248 : memref<10000x128xf32, #tpu.memory_space<hbm>>) target(%arg9 : memref<80x128xf32, #tpu.memory_space<vmem>>) offsets(%dma_start3A_245 : memref<80xi32, #tpu.memory_space<vmem>>) semaphore(%arg12 : memref<!tpu.dma_semaphore, #tpu.memory_space<semaphore_mem>>)
        } else {
        }
        %dma_wait3A_152 = arith.constant 0 : i32
        %dma_wait3A_153 = tpu.memref_slice %arg3[%dma_wait3A_152] : memref<640000xi32, #tpu.memory_space<hbm>> -> memref<80xi32, #tpu.memory_space<hbm>>
        %dma_wait3A_154 = arith.constant 0 : i32
        %dma_wait3A_155 = tpu.memref_slice %arg3[%dma_wait3A_154] : memref<640000xi32, #tpu.memory_space<hbm>> -> memref<80xi32, #tpu.memory_space<hbm>>
        tpu.wait_dma2 semaphore(%arg15 : memref<!tpu.dma_semaphore, #tpu.memory_space<semaphore_mem>>) src(%dma_wait3A_155 : memref<80xi32, #tpu.memory_space<hbm>>) dst(%arg8 : memref<80xi32, #tpu.memory_space<vmem>>)
        %get3A_156 = arith.constant 0 : index
        %get3A_157 = tpu.vector_load %arg8[%get3A_156] {strides = array<i32>} : memref<80xi32, #tpu.memory_space<vmem>>, vector<16xi32>,
        %mul3A_158 = arith.constant 80 : i32
        %mul3A_159 = arith.muli %add3A_144, %mul3A_158 : i32
        %add3A_160 = arith.constant 0 : i32
        %add3A_161 = arith.addi %mul3A_159, %add3A_160 : i32
        %get3A_162 = arith.index_cast %add3A_161 : i32 to index
        %get3A_163 = tpu.vector_load %arg6[%get3A_162] {strides = array<i32>} : memref<10000xi32, #tpu.memory_space<vmem>>, vector<16xi32>,
        %eq3A_164 = arith.cmpi eq, %get3A_163, %get3A_157 : vector<16xi32>
        %jit3A_165 = arith.constant 16385 : i32
        %jit3A_166 = arith.constant 16384 : i32
        %broadcast_in_dim3A_167 = vector.broadcast %jit3A_165 : i32 to vector<16xi32>
        %broadcast_in_dim3A_168 = vector.broadcast %jit3A_166 : i32 to vector<16xi32>
        %select_n3A_169 = arith.select %eq3A_164, %broadcast_in_dim3A_167, %broadcast_in_dim3A_168 : vector<16xi1>, vector<16xi32>
        tpu.vector_store_idx %arg16[%get3A_157], %select_n3A_169 {add = true} : memref<10000xi32, #tpu.memory_space<vmem>>[vector<16xi32>], vector<16xi32>,
        %get3A_170 = arith.constant 16 : index
        %get3A_171 = tpu.vector_load %arg8[%get3A_170] {strides = array<i32>} : memref<80xi32, #tpu.memory_space<vmem>>, vector<16xi32>,
        %mul3A_172 = arith.constant 80 : i32
        %mul3A_173 = arith.muli %add3A_144, %mul3A_172 : i32
        %add3A_174 = arith.constant 16 : i32
        %add3A_175 = arith.addi %mul3A_173, %add3A_174 : i32
        %get3A_176 = arith.index_cast %add3A_175 : i32 to index
        %get3A_177 = tpu.vector_load %arg6[%get3A_176] {strides = array<i32>} : memref<10000xi32, #tpu.memory_space<vmem>>, vector<16xi32>,
        %eq3A_178 = arith.cmpi eq, %get3A_177, %get3A_171 : vector<16xi32>
        %jit3A_179 = arith.constant 16385 : i32
        %jit3A_180 = arith.constant 16384 : i32
        %broadcast_in_dim3A_181 = vector.broadcast %jit3A_179 : i32 to vector<16xi32>
        %broadcast_in_dim3A_182 = vector.broadcast %jit3A_180 : i32 to vector<16xi32>
        %select_n3A_183 = arith.select %eq3A_178, %broadcast_in_dim3A_181, %broadcast_in_dim3A_182 : vector<16xi1>, vector<16xi32>
        tpu.vector_store_idx %arg16[%get3A_171], %select_n3A_183 {add = true} : memref<10000xi32, #tpu.memory_space<vmem>>[vector<16xi32>], vector<16xi32>,
        %get3A_184 = arith.constant 32 : index
        %get3A_185 = tpu.vector_load %arg8[%get3A_184] {strides = array<i32>} : memref<80xi32, #tpu.memory_space<vmem>>, vector<16xi32>,
        %mul3A_186 = arith.constant 80 : i32
        %mul3A_187 = arith.muli %add3A_144, %mul3A_186 : i32
        %add3A_188 = arith.constant 32 : i32
        %add3A_189 = arith.addi %mul3A_187, %add3A_188 : i32
        %get3A_190 = arith.index_cast %add3A_189 : i32 to index
        %get3A_191 = tpu.vector_load %arg6[%get3A_190] {strides = array<i32>} : memref<10000xi32, #tpu.memory_space<vmem>>, vector<16xi32>,
        %eq3A_192 = arith.cmpi eq, %get3A_191, %get3A_185 : vector<16xi32>
        %jit3A_193 = arith.constant 16385 : i32
        %jit3A_194 = arith.constant 16384 : i32
        %broadcast_in_dim3A_195 = vector.broadcast %jit3A_193 : i32 to vector<16xi32>
        %broadcast_in_dim3A_196 = vector.broadcast %jit3A_194 : i32 to vector<16xi32>
        %select_n3A_197 = arith.select %eq3A_192, %broadcast_in_dim3A_195, %broadcast_in_dim3A_196 : vector<16xi1>, vector<16xi32>
        tpu.vector_store_idx %arg16[%get3A_185], %select_n3A_197 {add = true} : memref<10000xi32, #tpu.memory_space<vmem>>[vector<16xi32>], vector<16xi32>,
        %get3A_198 = arith.constant 48 : index
        %get3A_199 = tpu.vector_load %arg8[%get3A_198] {strides = array<i32>} : memref<80xi32, #tpu.memory_space<vmem>>, vector<16xi32>,
        %mul3A_200 = arith.constant 80 : i32
        %mul3A_201 = arith.muli %add3A_144, %mul3A_200 : i32
        %add3A_202 = arith.constant 48 : i32
        %add3A_203 = arith.addi %mul3A_201, %add3A_202 : i32
        %get3A_204 = arith.index_cast %add3A_203 : i32 to index
        %get3A_205 = tpu.vector_load %arg6[%get3A_204] {strides = array<i32>} : memref<10000xi32, #tpu.memory_space<vmem>>, vector<16xi32>,
        %eq3A_206 = arith.cmpi eq, %get3A_205, %get3A_199 : vector<16xi32>
        %jit3A_207 = arith.constant 16385 : i32
        %jit3A_208 = arith.constant 16384 : i32
        %broadcast_in_dim3A_209 = vector.broadcast %jit3A_207 : i32 to vector<16xi32>
        %broadcast_in_dim3A_210 = vector.broadcast %jit3A_208 : i32 to vector<16xi32>
        %select_n3A_211 = arith.select %eq3A_206, %broadcast_in_dim3A_209, %broadcast_in_dim3A_210 : vector<16xi1>, vector<16xi32>
        tpu.vector_store_idx %arg16[%get3A_199], %select_n3A_211 {add = true} : memref<10000xi32, #tpu.memory_space<vmem>>[vector<16xi32>], vector<16xi32>,
        %get3A_212 = arith.constant 64 : index
        %get3A_213 = tpu.vector_load %arg8[%get3A_212] {strides = array<i32>} : memref<80xi32, #tpu.memory_space<vmem>>, vector<16xi32>,
        %mul3A_214 = arith.constant 80 : i32
        %mul3A_215 = arith.muli %add3A_144, %mul3A_214 : i32
        %add3A_216 = arith.constant 64 : i32
        %add3A_217 = arith.addi %mul3A_215, %add3A_216 : i32
        %get3A_218 = arith.index_cast %add3A_217 : i32 to index
        %get3A_219 = tpu.vector_load %arg6[%get3A_218] {strides = array<i32>} : memref<10000xi32, #tpu.memory_space<vmem>>, vector<16xi32>,
        %eq3A_220 = arith.cmpi eq, %get3A_219, %get3A_213 : vector<16xi32>
        %jit3A_221 = arith.constant 16385 : i32
        %jit3A_222 = arith.constant 16384 : i32
        %broadcast_in_dim3A_223 = vector.broadcast %jit3A_221 : i32 to vector<16xi32>
        %broadcast_in_dim3A_224 = vector.broadcast %jit3A_222 : i32 to vector<16xi32>
        %select_n3A_225 = arith.select %eq3A_220, %broadcast_in_dim3A_223, %broadcast_in_dim3A_224 : vector<16xi1>, vector<16xi32>
        tpu.vector_store_idx %arg16[%get3A_213], %select_n3A_225 {add = true} : memref<10000xi32, #tpu.memory_space<vmem>>[vector<16xi32>], vector<16xi32>,
        %dma_wait3A_226 = arith.constant 0 : i32
        %dma_wait3A_227 = arith.constant 0 : i32
        %dma_wait3A_228 = tpu.memref_slice %arg2[%dma_wait3A_226, %dma_wait3A_227] : memref<10000x128xf32, #tpu.memory_space<hbm>> -> memref<80x128xf32, #tpu.memory_space<hbm>>
        %dma_wait3A_229 = arith.constant 0 : i32
        %dma_wait3A_230 = arith.constant 0 : i32
        %dma_wait3A_231 = tpu.memref_slice %arg2[%dma_wait3A_229, %dma_wait3A_230] : memref<10000x128xf32, #tpu.memory_space<hbm>> -> memref<80x128xf32, #tpu.memory_space<hbm>>
        tpu.wait_dma2 semaphore(%arg13 : memref<!tpu.dma_semaphore, #tpu.memory_space<semaphore_mem>>) src(%dma_wait3A_231 : memref<80x128xf32, #tpu.memory_space<hbm>>) dst(%arg10 : memref<80x128xf32, #tpu.memory_space<vmem>>)
        "tpu.region"() ({
          %run_scoped3A = tpu.sem_alloc : memref<!tpu.dma_semaphore, #tpu.memory_space<semaphore_mem>>
          %dma_start3A_232 = arith.constant 0 : i32
          %dma_start3A_233 = arith.constant 0 : i32
          %dma_start3A_234 = tpu.memref_slice %arg11[%dma_start3A_232, %dma_start3A_233] : memref<10240x128xf32, #tpu.memory_space<vmem_shared>> -> memref<10240x128xf32, #tpu.memory_space<vmem_shared>>
          tpu.enqueue_indirect_dma source(%arg10 : memref<80x128xf32, #tpu.memory_space<vmem>>) target(%dma_start3A_234 : memref<10240x128xf32, #tpu.memory_space<vmem_shared>>) offsets(%arg8 : memref<80xi32, #tpu.memory_space<vmem>>) semaphore(%run_scoped3A : memref<!tpu.dma_semaphore, #tpu.memory_space<semaphore_mem>>) {add = true}
          %dma_wait3A_235 = arith.constant 0 : i32
          %dma_wait3A_236 = arith.constant 0 : i32
          %dma_wait3A_237 = tpu.memref_slice %arg11[%dma_wait3A_235, %dma_wait3A_236] : memref<10240x128xf32, #tpu.memory_space<vmem_shared>> -> memref<10240x128xf32, #tpu.memory_space<vmem_shared>>
          tpu.wait_indirect_dma semaphore(%run_scoped3A : memref<!tpu.dma_semaphore, #tpu.memory_space<semaphore_mem>>) src(%arg10 : memref<80x128xf32, #tpu.memory_space<vmem>>) dst(%dma_wait3A_237 : memref<10240x128xf32, #tpu.memory_space<vmem_shared>>)
          tpu.yield
        }) : () -> ()
      } else {
      }
    }
    %scan3A_48 = arith.constant 63 : i32
    %barrier3A_49 = arith.constant 0 : index
    tpu.barrier barrier_id(%barrier3A_49)
    "tpu.region"() ({
      %run_scoped3A = tpu.sem_alloc : memref<!tpu.dma_semaphore, #tpu.memory_space<semaphore_mem>>
      %dma_start3A_50 = arith.constant 0 : i32
      %dma_start3A_51 = tpu.memref_slice %arg4[%arg0, %mul3A_12, %dma_start3A_50] : memref<2x10240x128xf32, #tpu.memory_space<hbm>> -> memref<1x640x128xf32, #tpu.memory_space<hbm>>
      %dma_start3A_52 = tpu.memref_squeeze %dma_start3A_51 : memref<1x640x128xf32, #tpu.memory_space<hbm>> -> memref<640x128xf32, #tpu.memory_space<hbm>>
      %dma_start3A_53 = arith.constant 0 : i32
      %dma_start3A_54 = tpu.memref_slice %arg11[%mul3A_12, %dma_start3A_53] : memref<10240x128xf32, #tpu.memory_space<vmem_shared>> -> memref<640x128xf32, #tpu.memory_space<vmem_shared>>
      tpu.enqueue_dma source(%dma_start3A_54 : memref<640x128xf32, #tpu.memory_space<vmem_shared>>) target(%dma_start3A_52 : memref<640x128xf32, #tpu.memory_space<hbm>>) target_semaphore(%run_scoped3A : memref<!tpu.dma_semaphore, #tpu.memory_space<semaphore_mem>>)
      %dma_wait3A = arith.constant 0 : i32
      %dma_wait3A_55 = tpu.memref_slice %arg4[%arg0, %mul3A_12, %dma_wait3A] : memref<2x10240x128xf32, #tpu.memory_space<hbm>> -> memref<1x640x128xf32, #tpu.memory_space<hbm>>
      %dma_wait3A_56 = tpu.memref_squeeze %dma_wait3A_55 : memref<1x640x128xf32, #tpu.memory_space<hbm>> -> memref<640x128xf32, #tpu.memory_space<hbm>>
      %dma_wait3A_57 = arith.constant 0 : i32
      %dma_wait3A_58 = tpu.memref_slice %arg11[%mul3A_12, %dma_wait3A_57] : memref<10240x128xf32, #tpu.memory_space<vmem_shared>> -> memref<640x128xf32, #tpu.memory_space<vmem_shared>>
      tpu.wait_dma2 semaphore(%run_scoped3A : memref<!tpu.dma_semaphore, #tpu.memory_space<semaphore_mem>>) src(%dma_wait3A_58 : memref<640x128xf32, #tpu.memory_space<vmem_shared>>) dst(%dma_wait3A_56 : memref<640x128xf32, #tpu.memory_space<hbm>>)
      tpu.yield
    }) : () -> ()
    "tpu.region"() ({
      %run_scoped3A = tpu.sem_alloc : memref<!tpu.dma_semaphore, #tpu.memory_space<semaphore_mem>>
      %dma_start3A_50 = arith.constant 0 : i32
      %dma_start3A_51 = tpu.memref_slice %arg5[%add3A, %dma_start3A_50] : memref<32x10000xi32, #tpu.memory_space<hbm>> -> memref<1x10000xi32, #tpu.memory_space<hbm>>
      %dma_start3A_52 = tpu.memref_squeeze %dma_start3A_51 : memref<1x10000xi32, #tpu.memory_space<hbm>> -> memref<10000xi32, #tpu.memory_space<hbm>>
      %dma_start3A_53 = arith.constant 0 : i32
      %dma_start3A_54 = tpu.memref_slice %arg5[%add3A, %dma_start3A_53] : memref<32x10000xi32, #tpu.memory_space<hbm>> -> memref<1x10000xi32, #tpu.memory_space<hbm>>
      %dma_start3A_55 = tpu.memref_squeeze %dma_start3A_54 : memref<1x10000xi32, #tpu.memory_space<hbm>> -> memref<10000xi32, #tpu.memory_space<hbm>>
      tpu.enqueue_dma source(%arg16 : memref<10000xi32, #tpu.memory_space<vmem>>) target(%dma_start3A_55 : memref<10000xi32, #tpu.memory_space<hbm>>) target_semaphore(%run_scoped3A : memref<!tpu.dma_semaphore, #tpu.memory_space<semaphore_mem>>)
      %dma_wait3A = arith.constant 0 : i32
      %dma_wait3A_56 = tpu.memref_slice %arg5[%add3A, %dma_wait3A] : memref<32x10000xi32, #tpu.memory_space<hbm>> -> memref<1x10000xi32, #tpu.memory_space<hbm>>
      %dma_wait3A_57 = tpu.memref_squeeze %dma_wait3A_56 : memref<1x10000xi32, #tpu.memory_space<hbm>> -> memref<10000xi32, #tpu.memory_space<hbm>>
      %dma_wait3A_58 = arith.constant 0 : i32
      %dma_wait3A_59 = tpu.memref_slice %arg5[%add3A, %dma_wait3A_58] : memref<32x10000xi32, #tpu.memory_space<hbm>> -> memref<1x10000xi32, #tpu.memory_space<hbm>>
      %dma_wait3A_60 = tpu.memref_squeeze %dma_wait3A_59 : memref<1x10000xi32, #tpu.memory_space<hbm>> -> memref<10000xi32, #tpu.memory_space<hbm>>
      tpu.wait_dma2 semaphore(%run_scoped3A : memref<!tpu.dma_semaphore, #tpu.memory_space<semaphore_mem>>) src(%arg16 : memref<10000xi32, #tpu.memory_space<vmem>>) dst(%dma_wait3A_60 : memref<10000xi32, #tpu.memory_space<hbm>>)
      tpu.yield
    }) : () -> ()
    return
  }
}

#map = affine_map<(d0, d1) -> (0, 0)>
#map1 = affine_map<(d0, d1) -> (0)>
#map2 = affine_map<(d0, d1) -> (0, 0, 0)>
module attributes {stable_mosaic.version = 14 : i64} {
  func.func @agg(%arg0: i32, %arg1: i32, %arg2: memref<10000x128xf32, #tpu.memory_space<hbm>>, %arg3: memref<640000xi32, #tpu.memory_space<hbm>>, %arg4: memref<2x10240x128xf32, #tpu.memory_space<hbm>>, %arg5: memref<10000xi32, #tpu.memory_space<vmem>>, %arg6: memref<80xi32, #tpu.memory_space<vmem>>, %arg7: memref<80xi32, #tpu.memory_space<vmem>>, %arg8: memref<80x128xf32, #tpu.memory_space<vmem>>, %arg9: memref<80x128xf32, #tpu.memory_space<vmem>>, %arg10: memref<10240x128xf32, #tpu.memory_space<vmem_shared>>, %arg11: memref<!tpu.dma_semaphore, #tpu.memory_space<semaphore_mem>>, %arg12: memref<!tpu.dma_semaphore, #tpu.memory_space<semaphore_mem>>, %arg13: memref<!tpu.dma_semaphore, #tpu.memory_space<semaphore_mem>>, %arg14: memref<!tpu.dma_semaphore, #tpu.memory_space<semaphore_mem>>) attributes {dimension_semantics = [#tpu.dimension_semantics<core_parallel>, #tpu.dimension_semantics<subcore_parallel>], iteration_bounds = array<i64: 2, 16>, scalar_prefetch = 0 : i64, scratch_operands = 10 : i64, tpu.core_type = #tpu.core_type<sc_vector_subcore>, window_params = [{transform_indices = #map}, {transform_indices = #map1}, {transform_indices = #map2}]} {
    %mul3A = arith.constant 16 : i32
    %mul3A_0 = arith.muli %arg0, %mul3A : i32
    %add3A = arith.addi %mul3A_0, %arg1 : i32
    %mul3A_1 = arith.constant 10000 : i32
    %mul3A_2 = arith.muli %add3A, %mul3A_1 : i32
    %broadcast_in_dim3A = arith.constant 0.000000e+00 : f32
    %broadcast_in_dim3A_3 = vector.broadcast %broadcast_in_dim3A : f32 to vector<16xf32>
    %broadcast_in_dim3A_4 = arith.constant 0 : i32
    %broadcast_in_dim3A_5 = vector.broadcast %broadcast_in_dim3A_4 : i32 to vector<16xi32>
    %scan3A = arith.constant 0 : i32
    %scan3A_6 = arith.constant 0 : i32
    %scan3A_7 = arith.constant 640 : i32
    %scan3A_8 = arith.addi %scan3A_6, %scan3A_7 : i32
    %scan3A_9 = arith.constant 1 : i32
    scf.for %scan3A_44 = %scan3A_6 to %scan3A_8 step %scan3A_9  : i32 {
      %jit3A = arith.constant 8 : i32
      %div3A = arith.divsi %scan3A_44, %jit3A : i32
      %sign3A = arith.constant 0 : i32
      %sign3A_45 = arith.cmpi sgt, %scan3A_44, %sign3A : i32
      %sign3A_46 = arith.extui %sign3A_45 : i1 to i32
      %sign3A_47 = arith.constant 0 : i32
      %sign3A_48 = arith.cmpi slt, %scan3A_44, %sign3A_47 : i32
      %sign3A_49 = arith.extui %sign3A_48 : i1 to i32
      %sign3A_50 = arith.subi %sign3A_46, %sign3A_49 : i32
      %sign3A_51 = arith.constant 0 : i32
      %sign3A_52 = arith.cmpi sgt, %jit3A, %sign3A_51 : i32
      %sign3A_53 = arith.extui %sign3A_52 : i1 to i32
      %sign3A_54 = arith.constant 0 : i32
      %sign3A_55 = arith.cmpi slt, %jit3A, %sign3A_54 : i32
      %sign3A_56 = arith.extui %sign3A_55 : i1 to i32
      %sign3A_57 = arith.subi %sign3A_53, %sign3A_56 : i32
      %ne3A = arith.cmpi ne, %sign3A_50, %sign3A_57 : i32
      %rem3A = arith.remsi %scan3A_44, %jit3A : i32
      %ne3A_58 = arith.constant 0 : i32
      %ne3A_59 = arith.cmpi ne, %rem3A, %ne3A_58 : i32
      %and3A = arith.andi %ne3A, %ne3A_59 : i1
      %sub3A = arith.constant 1 : i32
      %sub3A_60 = arith.subi %div3A, %sub3A : i32
      %select_n3A = arith.select %and3A, %sub3A_60, %div3A : i32
      %jit3A_61 = arith.constant 8 : i32
      %eq3A = arith.constant 0 : i32
      %eq3A_62 = arith.cmpi eq, %jit3A_61, %eq3A : i32
      %jit3A_63 = arith.constant 1 : i32
      %select_n3A_64 = arith.select %eq3A_62, %jit3A_63, %jit3A_61 : i32
      %rem3A_65 = arith.remsi %scan3A_44, %select_n3A_64 : i32
      %ne3A_66 = arith.constant 0 : i32
      %ne3A_67 = arith.cmpi ne, %rem3A_65, %ne3A_66 : i32
      %lt3A = arith.constant 0 : i32
      %lt3A_68 = arith.cmpi slt, %rem3A_65, %lt3A : i32
      %lt3A_69 = arith.constant 0 : i32
      %lt3A_70 = arith.cmpi slt, %select_n3A_64, %lt3A_69 : i32
      %ne3A_71 = arith.xori %lt3A_68, %lt3A_70 : i1
      %and3A_72 = arith.andi %ne3A_71, %ne3A_67 : i1
      %add3A_73 = arith.addi %rem3A_65, %select_n3A_64 : i32
      %select_n3A_74 = arith.select %and3A_72, %add3A_73, %rem3A_65 : i32
      %mul3A_75 = arith.constant 16 : i32
      %mul3A_76 = arith.muli %select_n3A_74, %mul3A_75 : i32
      %swap3A = arith.index_cast %select_n3A : i32 to index
      %swap3A_77 = arith.index_cast %mul3A_76 : i32 to index
      %swap3A_78 = tpu.vector_load %arg8[%swap3A, %swap3A_77] {strides = array<i32>} : memref<80x128xf32, #tpu.memory_space<vmem>>, vector<16xf32>,
      tpu.vector_store %arg8[%swap3A, %swap3A_77], %broadcast_in_dim3A_3 {strides = array<i32>} : memref<80x128xf32, #tpu.memory_space<vmem>>, vector<16xf32>,
    }
    %scan3A_10 = arith.constant 640 : i32
    %mul3A_11 = arith.constant 640 : i32
    %mul3A_12 = arith.muli %arg1, %mul3A_11 : i32
    %add3A_13 = arith.constant 0 : i32
    %add3A_14 = arith.addi %mul3A_12, %add3A_13 : i32
    "tpu.region"() ({
      %run_scoped3A = tpu.sem_alloc : memref<!tpu.dma_semaphore, #tpu.memory_space<semaphore_mem>>
      %dma_start3A_44 = arith.constant 0 : i32
      %dma_start3A_45 = tpu.memref_slice %arg10[%add3A_14, %dma_start3A_44] : memref<10240x128xf32, #tpu.memory_space<vmem_shared>> -> memref<80x128xf32, #tpu.memory_space<vmem_shared>>
      %dma_start3A_46 = arith.constant 0 : i32
      %dma_start3A_47 = tpu.memref_slice %arg10[%add3A_14, %dma_start3A_46] : memref<10240x128xf32, #tpu.memory_space<vmem_shared>> -> memref<80x128xf32, #tpu.memory_space<vmem_shared>>
      tpu.enqueue_dma source(%arg8 : memref<80x128xf32, #tpu.memory_space<vmem>>) target(%dma_start3A_47 : memref<80x128xf32, #tpu.memory_space<vmem_shared>>) target_semaphore(%run_scoped3A : memref<!tpu.dma_semaphore, #tpu.memory_space<semaphore_mem>>)
      %dma_wait3A = arith.constant 0 : i32
      %dma_wait3A_48 = tpu.memref_slice %arg10[%add3A_14, %dma_wait3A] : memref<10240x128xf32, #tpu.memory_space<vmem_shared>> -> memref<80x128xf32, #tpu.memory_space<vmem_shared>>
      %dma_wait3A_49 = arith.constant 0 : i32
      %dma_wait3A_50 = tpu.memref_slice %arg10[%add3A_14, %dma_wait3A_49] : memref<10240x128xf32, #tpu.memory_space<vmem_shared>> -> memref<80x128xf32, #tpu.memory_space<vmem_shared>>
      tpu.wait_dma2 semaphore(%run_scoped3A : memref<!tpu.dma_semaphore, #tpu.memory_space<semaphore_mem>>) src(%arg8 : memref<80x128xf32, #tpu.memory_space<vmem>>) dst(%dma_wait3A_50 : memref<80x128xf32, #tpu.memory_space<vmem_shared>>)
      tpu.yield
    }) : () -> ()
    %add3A_15 = arith.constant 80 : i32
    %add3A_16 = arith.addi %mul3A_12, %add3A_15 : i32
    "tpu.region"() ({
      %run_scoped3A = tpu.sem_alloc : memref<!tpu.dma_semaphore, #tpu.memory_space<semaphore_mem>>
      %dma_start3A_44 = arith.constant 0 : i32
      %dma_start3A_45 = tpu.memref_slice %arg10[%add3A_16, %dma_start3A_44] : memref<10240x128xf32, #tpu.memory_space<vmem_shared>> -> memref<80x128xf32, #tpu.memory_space<vmem_shared>>
      %dma_start3A_46 = arith.constant 0 : i32
      %dma_start3A_47 = tpu.memref_slice %arg10[%add3A_16, %dma_start3A_46] : memref<10240x128xf32, #tpu.memory_space<vmem_shared>> -> memref<80x128xf32, #tpu.memory_space<vmem_shared>>
      tpu.enqueue_dma source(%arg8 : memref<80x128xf32, #tpu.memory_space<vmem>>) target(%dma_start3A_47 : memref<80x128xf32, #tpu.memory_space<vmem_shared>>) target_semaphore(%run_scoped3A : memref<!tpu.dma_semaphore, #tpu.memory_space<semaphore_mem>>)
      %dma_wait3A = arith.constant 0 : i32
      %dma_wait3A_48 = tpu.memref_slice %arg10[%add3A_16, %dma_wait3A] : memref<10240x128xf32, #tpu.memory_space<vmem_shared>> -> memref<80x128xf32, #tpu.memory_space<vmem_shared>>
      %dma_wait3A_49 = arith.constant 0 : i32
      %dma_wait3A_50 = tpu.memref_slice %arg10[%add3A_16, %dma_wait3A_49] : memref<10240x128xf32, #tpu.memory_space<vmem_shared>> -> memref<80x128xf32, #tpu.memory_space<vmem_shared>>
      tpu.wait_dma2 semaphore(%run_scoped3A : memref<!tpu.dma_semaphore, #tpu.memory_space<semaphore_mem>>) src(%arg8 : memref<80x128xf32, #tpu.memory_space<vmem>>) dst(%dma_wait3A_50 : memref<80x128xf32, #tpu.memory_space<vmem_shared>>)
      tpu.yield
    }) : () -> ()
    %add3A_17 = arith.constant 160 : i32
    %add3A_18 = arith.addi %mul3A_12, %add3A_17 : i32
    "tpu.region"() ({
      %run_scoped3A = tpu.sem_alloc : memref<!tpu.dma_semaphore, #tpu.memory_space<semaphore_mem>>
      %dma_start3A_44 = arith.constant 0 : i32
      %dma_start3A_45 = tpu.memref_slice %arg10[%add3A_18, %dma_start3A_44] : memref<10240x128xf32, #tpu.memory_space<vmem_shared>> -> memref<80x128xf32, #tpu.memory_space<vmem_shared>>
      %dma_start3A_46 = arith.constant 0 : i32
      %dma_start3A_47 = tpu.memref_slice %arg10[%add3A_18, %dma_start3A_46] : memref<10240x128xf32, #tpu.memory_space<vmem_shared>> -> memref<80x128xf32, #tpu.memory_space<vmem_shared>>
      tpu.enqueue_dma source(%arg8 : memref<80x128xf32, #tpu.memory_space<vmem>>) target(%dma_start3A_47 : memref<80x128xf32, #tpu.memory_space<vmem_shared>>) target_semaphore(%run_scoped3A : memref<!tpu.dma_semaphore, #tpu.memory_space<semaphore_mem>>)
      %dma_wait3A = arith.constant 0 : i32
      %dma_wait3A_48 = tpu.memref_slice %arg10[%add3A_18, %dma_wait3A] : memref<10240x128xf32, #tpu.memory_space<vmem_shared>> -> memref<80x128xf32, #tpu.memory_space<vmem_shared>>
      %dma_wait3A_49 = arith.constant 0 : i32
      %dma_wait3A_50 = tpu.memref_slice %arg10[%add3A_18, %dma_wait3A_49] : memref<10240x128xf32, #tpu.memory_space<vmem_shared>> -> memref<80x128xf32, #tpu.memory_space<vmem_shared>>
      tpu.wait_dma2 semaphore(%run_scoped3A : memref<!tpu.dma_semaphore, #tpu.memory_space<semaphore_mem>>) src(%arg8 : memref<80x128xf32, #tpu.memory_space<vmem>>) dst(%dma_wait3A_50 : memref<80x128xf32, #tpu.memory_space<vmem_shared>>)
      tpu.yield
    }) : () -> ()
    %add3A_19 = arith.constant 240 : i32
    %add3A_20 = arith.addi %mul3A_12, %add3A_19 : i32
    "tpu.region"() ({
      %run_scoped3A = tpu.sem_alloc : memref<!tpu.dma_semaphore, #tpu.memory_space<semaphore_mem>>
      %dma_start3A_44 = arith.constant 0 : i32
      %dma_start3A_45 = tpu.memref_slice %arg10[%add3A_20, %dma_start3A_44] : memref<10240x128xf32, #tpu.memory_space<vmem_shared>> -> memref<80x128xf32, #tpu.memory_space<vmem_shared>>
      %dma_start3A_46 = arith.constant 0 : i32
      %dma_start3A_47 = tpu.memref_slice %arg10[%add3A_20, %dma_start3A_46] : memref<10240x128xf32, #tpu.memory_space<vmem_shared>> -> memref<80x128xf32, #tpu.memory_space<vmem_shared>>
      tpu.enqueue_dma source(%arg8 : memref<80x128xf32, #tpu.memory_space<vmem>>) target(%dma_start3A_47 : memref<80x128xf32, #tpu.memory_space<vmem_shared>>) target_semaphore(%run_scoped3A : memref<!tpu.dma_semaphore, #tpu.memory_space<semaphore_mem>>)
      %dma_wait3A = arith.constant 0 : i32
      %dma_wait3A_48 = tpu.memref_slice %arg10[%add3A_20, %dma_wait3A] : memref<10240x128xf32, #tpu.memory_space<vmem_shared>> -> memref<80x128xf32, #tpu.memory_space<vmem_shared>>
      %dma_wait3A_49 = arith.constant 0 : i32
      %dma_wait3A_50 = tpu.memref_slice %arg10[%add3A_20, %dma_wait3A_49] : memref<10240x128xf32, #tpu.memory_space<vmem_shared>> -> memref<80x128xf32, #tpu.memory_space<vmem_shared>>
      tpu.wait_dma2 semaphore(%run_scoped3A : memref<!tpu.dma_semaphore, #tpu.memory_space<semaphore_mem>>) src(%arg8 : memref<80x128xf32, #tpu.memory_space<vmem>>) dst(%dma_wait3A_50 : memref<80x128xf32, #tpu.memory_space<vmem_shared>>)
      tpu.yield
    }) : () -> ()
    %add3A_21 = arith.constant 320 : i32
    %add3A_22 = arith.addi %mul3A_12, %add3A_21 : i32
    "tpu.region"() ({
      %run_scoped3A = tpu.sem_alloc : memref<!tpu.dma_semaphore, #tpu.memory_space<semaphore_mem>>
      %dma_start3A_44 = arith.constant 0 : i32
      %dma_start3A_45 = tpu.memref_slice %arg10[%add3A_22, %dma_start3A_44] : memref<10240x128xf32, #tpu.memory_space<vmem_shared>> -> memref<80x128xf32, #tpu.memory_space<vmem_shared>>
      %dma_start3A_46 = arith.constant 0 : i32
      %dma_start3A_47 = tpu.memref_slice %arg10[%add3A_22, %dma_start3A_46] : memref<10240x128xf32, #tpu.memory_space<vmem_shared>> -> memref<80x128xf32, #tpu.memory_space<vmem_shared>>
      tpu.enqueue_dma source(%arg8 : memref<80x128xf32, #tpu.memory_space<vmem>>) target(%dma_start3A_47 : memref<80x128xf32, #tpu.memory_space<vmem_shared>>) target_semaphore(%run_scoped3A : memref<!tpu.dma_semaphore, #tpu.memory_space<semaphore_mem>>)
      %dma_wait3A = arith.constant 0 : i32
      %dma_wait3A_48 = tpu.memref_slice %arg10[%add3A_22, %dma_wait3A] : memref<10240x128xf32, #tpu.memory_space<vmem_shared>> -> memref<80x128xf32, #tpu.memory_space<vmem_shared>>
      %dma_wait3A_49 = arith.constant 0 : i32
      %dma_wait3A_50 = tpu.memref_slice %arg10[%add3A_22, %dma_wait3A_49] : memref<10240x128xf32, #tpu.memory_space<vmem_shared>> -> memref<80x128xf32, #tpu.memory_space<vmem_shared>>
      tpu.wait_dma2 semaphore(%run_scoped3A : memref<!tpu.dma_semaphore, #tpu.memory_space<semaphore_mem>>) src(%arg8 : memref<80x128xf32, #tpu.memory_space<vmem>>) dst(%dma_wait3A_50 : memref<80x128xf32, #tpu.memory_space<vmem_shared>>)
      tpu.yield
    }) : () -> ()
    %add3A_23 = arith.constant 400 : i32
    %add3A_24 = arith.addi %mul3A_12, %add3A_23 : i32
    "tpu.region"() ({
      %run_scoped3A = tpu.sem_alloc : memref<!tpu.dma_semaphore, #tpu.memory_space<semaphore_mem>>
      %dma_start3A_44 = arith.constant 0 : i32
      %dma_start3A_45 = tpu.memref_slice %arg10[%add3A_24, %dma_start3A_44] : memref<10240x128xf32, #tpu.memory_space<vmem_shared>> -> memref<80x128xf32, #tpu.memory_space<vmem_shared>>
      %dma_start3A_46 = arith.constant 0 : i32
      %dma_start3A_47 = tpu.memref_slice %arg10[%add3A_24, %dma_start3A_46] : memref<10240x128xf32, #tpu.memory_space<vmem_shared>> -> memref<80x128xf32, #tpu.memory_space<vmem_shared>>
      tpu.enqueue_dma source(%arg8 : memref<80x128xf32, #tpu.memory_space<vmem>>) target(%dma_start3A_47 : memref<80x128xf32, #tpu.memory_space<vmem_shared>>) target_semaphore(%run_scoped3A : memref<!tpu.dma_semaphore, #tpu.memory_space<semaphore_mem>>)
      %dma_wait3A = arith.constant 0 : i32
      %dma_wait3A_48 = tpu.memref_slice %arg10[%add3A_24, %dma_wait3A] : memref<10240x128xf32, #tpu.memory_space<vmem_shared>> -> memref<80x128xf32, #tpu.memory_space<vmem_shared>>
      %dma_wait3A_49 = arith.constant 0 : i32
      %dma_wait3A_50 = tpu.memref_slice %arg10[%add3A_24, %dma_wait3A_49] : memref<10240x128xf32, #tpu.memory_space<vmem_shared>> -> memref<80x128xf32, #tpu.memory_space<vmem_shared>>
      tpu.wait_dma2 semaphore(%run_scoped3A : memref<!tpu.dma_semaphore, #tpu.memory_space<semaphore_mem>>) src(%arg8 : memref<80x128xf32, #tpu.memory_space<vmem>>) dst(%dma_wait3A_50 : memref<80x128xf32, #tpu.memory_space<vmem_shared>>)
      tpu.yield
    }) : () -> ()
    %add3A_25 = arith.constant 480 : i32
    %add3A_26 = arith.addi %mul3A_12, %add3A_25 : i32
    "tpu.region"() ({
      %run_scoped3A = tpu.sem_alloc : memref<!tpu.dma_semaphore, #tpu.memory_space<semaphore_mem>>
      %dma_start3A_44 = arith.constant 0 : i32
      %dma_start3A_45 = tpu.memref_slice %arg10[%add3A_26, %dma_start3A_44] : memref<10240x128xf32, #tpu.memory_space<vmem_shared>> -> memref<80x128xf32, #tpu.memory_space<vmem_shared>>
      %dma_start3A_46 = arith.constant 0 : i32
      %dma_start3A_47 = tpu.memref_slice %arg10[%add3A_26, %dma_start3A_46] : memref<10240x128xf32, #tpu.memory_space<vmem_shared>> -> memref<80x128xf32, #tpu.memory_space<vmem_shared>>
      tpu.enqueue_dma source(%arg8 : memref<80x128xf32, #tpu.memory_space<vmem>>) target(%dma_start3A_47 : memref<80x128xf32, #tpu.memory_space<vmem_shared>>) target_semaphore(%run_scoped3A : memref<!tpu.dma_semaphore, #tpu.memory_space<semaphore_mem>>)
      %dma_wait3A = arith.constant 0 : i32
      %dma_wait3A_48 = tpu.memref_slice %arg10[%add3A_26, %dma_wait3A] : memref<10240x128xf32, #tpu.memory_space<vmem_shared>> -> memref<80x128xf32, #tpu.memory_space<vmem_shared>>
      %dma_wait3A_49 = arith.constant 0 : i32
      %dma_wait3A_50 = tpu.memref_slice %arg10[%add3A_26, %dma_wait3A_49] : memref<10240x128xf32, #tpu.memory_space<vmem_shared>> -> memref<80x128xf32, #tpu.memory_space<vmem_shared>>
      tpu.wait_dma2 semaphore(%run_scoped3A : memref<!tpu.dma_semaphore, #tpu.memory_space<semaphore_mem>>) src(%arg8 : memref<80x128xf32, #tpu.memory_space<vmem>>) dst(%dma_wait3A_50 : memref<80x128xf32, #tpu.memory_space<vmem_shared>>)
      tpu.yield
    }) : () -> ()
    %add3A_27 = arith.constant 560 : i32
    %add3A_28 = arith.addi %mul3A_12, %add3A_27 : i32
    "tpu.region"() ({
      %run_scoped3A = tpu.sem_alloc : memref<!tpu.dma_semaphore, #tpu.memory_space<semaphore_mem>>
      %dma_start3A_44 = arith.constant 0 : i32
      %dma_start3A_45 = tpu.memref_slice %arg10[%add3A_28, %dma_start3A_44] : memref<10240x128xf32, #tpu.memory_space<vmem_shared>> -> memref<80x128xf32, #tpu.memory_space<vmem_shared>>
      %dma_start3A_46 = arith.constant 0 : i32
      %dma_start3A_47 = tpu.memref_slice %arg10[%add3A_28, %dma_start3A_46] : memref<10240x128xf32, #tpu.memory_space<vmem_shared>> -> memref<80x128xf32, #tpu.memory_space<vmem_shared>>
      tpu.enqueue_dma source(%arg8 : memref<80x128xf32, #tpu.memory_space<vmem>>) target(%dma_start3A_47 : memref<80x128xf32, #tpu.memory_space<vmem_shared>>) target_semaphore(%run_scoped3A : memref<!tpu.dma_semaphore, #tpu.memory_space<semaphore_mem>>)
      %dma_wait3A = arith.constant 0 : i32
      %dma_wait3A_48 = tpu.memref_slice %arg10[%add3A_28, %dma_wait3A] : memref<10240x128xf32, #tpu.memory_space<vmem_shared>> -> memref<80x128xf32, #tpu.memory_space<vmem_shared>>
      %dma_wait3A_49 = arith.constant 0 : i32
      %dma_wait3A_50 = tpu.memref_slice %arg10[%add3A_28, %dma_wait3A_49] : memref<10240x128xf32, #tpu.memory_space<vmem_shared>> -> memref<80x128xf32, #tpu.memory_space<vmem_shared>>
      tpu.wait_dma2 semaphore(%run_scoped3A : memref<!tpu.dma_semaphore, #tpu.memory_space<semaphore_mem>>) src(%arg8 : memref<80x128xf32, #tpu.memory_space<vmem>>) dst(%dma_wait3A_50 : memref<80x128xf32, #tpu.memory_space<vmem_shared>>)
      tpu.yield
    }) : () -> ()
    %barrier3A = arith.constant 0 : index
    tpu.barrier barrier_id(%barrier3A)
    "tpu.region"() ({
      %run_scoped3A = tpu.sem_alloc : memref<!tpu.dma_semaphore, #tpu.memory_space<semaphore_mem>>
      %dma_start3A_44 = tpu.memref_slice %arg3[%mul3A_2] : memref<640000xi32, #tpu.memory_space<hbm>> -> memref<10000xi32, #tpu.memory_space<hbm>>
      %dma_start3A_45 = tpu.memref_slice %arg3[%mul3A_2] : memref<640000xi32, #tpu.memory_space<hbm>> -> memref<10000xi32, #tpu.memory_space<hbm>>
      tpu.enqueue_dma source(%dma_start3A_45 : memref<10000xi32, #tpu.memory_space<hbm>>) target(%arg5 : memref<10000xi32, #tpu.memory_space<vmem>>) target_semaphore(%run_scoped3A : memref<!tpu.dma_semaphore, #tpu.memory_space<semaphore_mem>>)
      %dma_wait3A = tpu.memref_slice %arg3[%mul3A_2] : memref<640000xi32, #tpu.memory_space<hbm>> -> memref<10000xi32, #tpu.memory_space<hbm>>
      %dma_wait3A_46 = tpu.memref_slice %arg3[%mul3A_2] : memref<640000xi32, #tpu.memory_space<hbm>> -> memref<10000xi32, #tpu.memory_space<hbm>>
      tpu.wait_dma2 semaphore(%run_scoped3A : memref<!tpu.dma_semaphore, #tpu.memory_space<semaphore_mem>>) src(%dma_wait3A_46 : memref<10000xi32, #tpu.memory_space<hbm>>) dst(%arg5 : memref<10000xi32, #tpu.memory_space<vmem>>)
      tpu.yield
    }) : () -> ()
    %add3A_29 = arith.constant 320000 : i32
    %add3A_30 = arith.addi %add3A_29, %mul3A_2 : i32
    %dma_start3A = tpu.memref_slice %arg3[%add3A_30] : memref<640000xi32, #tpu.memory_space<hbm>> -> memref<80xi32, #tpu.memory_space<hbm>>
    %dma_start3A_31 = tpu.memref_slice %arg3[%add3A_30] : memref<640000xi32, #tpu.memory_space<hbm>> -> memref<80xi32, #tpu.memory_space<hbm>>
    tpu.enqueue_dma source(%dma_start3A_31 : memref<80xi32, #tpu.memory_space<hbm>>) target(%arg6 : memref<80xi32, #tpu.memory_space<vmem>>) target_semaphore(%arg13 : memref<!tpu.dma_semaphore, #tpu.memory_space<semaphore_mem>>)
    %dma_start3A_32 = arith.constant 0 : i32
    %dma_start3A_33 = tpu.memref_slice %arg5[%dma_start3A_32] : memref<10000xi32, #tpu.memory_space<vmem>> -> memref<80xi32, #tpu.memory_space<vmem>>
    %dma_start3A_34 = arith.constant 0 : i32
    %dma_start3A_35 = arith.constant 0 : i32
    %dma_start3A_36 = tpu.memref_slice %arg2[%dma_start3A_34, %dma_start3A_35] : memref<10000x128xf32, #tpu.memory_space<hbm>> -> memref<10000x128xf32, #tpu.memory_space<hbm>>
    tpu.enqueue_indirect_dma source(%dma_start3A_36 : memref<10000x128xf32, #tpu.memory_space<hbm>>) target(%arg8 : memref<80x128xf32, #tpu.memory_space<vmem>>) offsets(%dma_start3A_33 : memref<80xi32, #tpu.memory_space<vmem>>) semaphore(%arg11 : memref<!tpu.dma_semaphore, #tpu.memory_space<semaphore_mem>>)
    %scan3A_37 = arith.constant 0 : i32
    %scan3A_38 = arith.constant 0 : i32
    %scan3A_39 = arith.constant 63 : i32
    %scan3A_40 = arith.addi %scan3A_38, %scan3A_39 : i32
    %scan3A_41 = arith.constant 1 : i32
    scf.for %scan3A_44 = %scan3A_38 to %scan3A_40 step %scan3A_41  : i32 {
      %mul3A_45 = arith.constant 2 : i32
      %mul3A_46 = arith.muli %mul3A_45, %scan3A_44 : i32
      %add3A_47 = arith.constant 1 : i32
      %add3A_48 = arith.addi %mul3A_46, %add3A_47 : i32
      %lt3A = arith.constant 125 : i32
      %lt3A_49 = arith.cmpi slt, %add3A_48, %lt3A : i32
      %convert_element_type3A = arith.extui %lt3A_49 : i1 to i32
      %cond3A = arith.constant 0 : i32
      %cond3A_50 = arith.cmpi ne, %convert_element_type3A, %cond3A : i32
      scf.if %cond3A_50 {
        %add3A_69 = arith.constant 320000 : i32
        %add3A_70 = arith.addi %add3A_69, %mul3A_2 : i32
        %add3A_71 = arith.constant 1 : i32
        %add3A_72 = arith.addi %mul3A_46, %add3A_71 : i32
        %mul3A_73 = arith.constant 80 : i32
        %mul3A_74 = arith.muli %add3A_72, %mul3A_73 : i32
        %add3A_75 = arith.addi %add3A_70, %mul3A_74 : i32
        %dma_start3A_76 = tpu.memref_slice %arg3[%add3A_75] : memref<640000xi32, #tpu.memory_space<hbm>> -> memref<80xi32, #tpu.memory_space<hbm>>
        %dma_start3A_77 = tpu.memref_slice %arg3[%add3A_75] : memref<640000xi32, #tpu.memory_space<hbm>> -> memref<80xi32, #tpu.memory_space<hbm>>
        tpu.enqueue_dma source(%dma_start3A_77 : memref<80xi32, #tpu.memory_space<hbm>>) target(%arg7 : memref<80xi32, #tpu.memory_space<vmem>>) target_semaphore(%arg14 : memref<!tpu.dma_semaphore, #tpu.memory_space<semaphore_mem>>)
        %add3A_78 = arith.constant 1 : i32
        %add3A_79 = arith.addi %mul3A_46, %add3A_78 : i32
        %mul3A_80 = arith.constant 80 : i32
        %mul3A_81 = arith.muli %add3A_79, %mul3A_80 : i32
        %dma_start3A_82 = tpu.memref_slice %arg5[%mul3A_81] : memref<10000xi32, #tpu.memory_space<vmem>> -> memref<80xi32, #tpu.memory_space<vmem>>
        %dma_start3A_83 = arith.constant 0 : i32
        %dma_start3A_84 = arith.constant 0 : i32
        %dma_start3A_85 = tpu.memref_slice %arg2[%dma_start3A_83, %dma_start3A_84] : memref<10000x128xf32, #tpu.memory_space<hbm>> -> memref<10000x128xf32, #tpu.memory_space<hbm>>
        tpu.enqueue_indirect_dma source(%dma_start3A_85 : memref<10000x128xf32, #tpu.memory_space<hbm>>) target(%arg9 : memref<80x128xf32, #tpu.memory_space<vmem>>) offsets(%dma_start3A_82 : memref<80xi32, #tpu.memory_space<vmem>>) semaphore(%arg12 : memref<!tpu.dma_semaphore, #tpu.memory_space<semaphore_mem>>)
      } else {
      }
      %dma_wait3A = arith.constant 0 : i32
      %dma_wait3A_51 = tpu.memref_slice %arg3[%dma_wait3A] : memref<640000xi32, #tpu.memory_space<hbm>> -> memref<80xi32, #tpu.memory_space<hbm>>
      %dma_wait3A_52 = arith.constant 0 : i32
      %dma_wait3A_53 = tpu.memref_slice %arg3[%dma_wait3A_52] : memref<640000xi32, #tpu.memory_space<hbm>> -> memref<80xi32, #tpu.memory_space<hbm>>
      tpu.wait_dma2 semaphore(%arg13 : memref<!tpu.dma_semaphore, #tpu.memory_space<semaphore_mem>>) src(%dma_wait3A_53 : memref<80xi32, #tpu.memory_space<hbm>>) dst(%arg6 : memref<80xi32, #tpu.memory_space<vmem>>)
      %dma_wait3A_54 = arith.constant 0 : i32
      %dma_wait3A_55 = arith.constant 0 : i32
      %dma_wait3A_56 = tpu.memref_slice %arg2[%dma_wait3A_54, %dma_wait3A_55] : memref<10000x128xf32, #tpu.memory_space<hbm>> -> memref<80x128xf32, #tpu.memory_space<hbm>>
      %dma_wait3A_57 = arith.constant 0 : i32
      %dma_wait3A_58 = arith.constant 0 : i32
      %dma_wait3A_59 = tpu.memref_slice %arg2[%dma_wait3A_57, %dma_wait3A_58] : memref<10000x128xf32, #tpu.memory_space<hbm>> -> memref<80x128xf32, #tpu.memory_space<hbm>>
      tpu.wait_dma2 semaphore(%arg11 : memref<!tpu.dma_semaphore, #tpu.memory_space<semaphore_mem>>) src(%dma_wait3A_59 : memref<80x128xf32, #tpu.memory_space<hbm>>) dst(%arg8 : memref<80x128xf32, #tpu.memory_space<vmem>>)
      "tpu.region"() ({
        %run_scoped3A = tpu.sem_alloc : memref<!tpu.dma_semaphore, #tpu.memory_space<semaphore_mem>>
        %dma_start3A_69 = arith.constant 0 : i32
        %dma_start3A_70 = arith.constant 0 : i32
        %dma_start3A_71 = tpu.memref_slice %arg10[%dma_start3A_69, %dma_start3A_70] : memref<10240x128xf32, #tpu.memory_space<vmem_shared>> -> memref<10240x128xf32, #tpu.memory_space<vmem_shared>>
        tpu.enqueue_indirect_dma source(%arg8 : memref<80x128xf32, #tpu.memory_space<vmem>>) target(%dma_start3A_71 : memref<10240x128xf32, #tpu.memory_space<vmem_shared>>) offsets(%arg6 : memref<80xi32, #tpu.memory_space<vmem>>) semaphore(%run_scoped3A : memref<!tpu.dma_semaphore, #tpu.memory_space<semaphore_mem>>) {add = true}
        %dma_wait3A_72 = arith.constant 0 : i32
        %dma_wait3A_73 = arith.constant 0 : i32
        %dma_wait3A_74 = tpu.memref_slice %arg10[%dma_wait3A_72, %dma_wait3A_73] : memref<10240x128xf32, #tpu.memory_space<vmem_shared>> -> memref<10240x128xf32, #tpu.memory_space<vmem_shared>>
        tpu.wait_indirect_dma semaphore(%run_scoped3A : memref<!tpu.dma_semaphore, #tpu.memory_space<semaphore_mem>>) src(%arg8 : memref<80x128xf32, #tpu.memory_space<vmem>>) dst(%dma_wait3A_74 : memref<10240x128xf32, #tpu.memory_space<vmem_shared>>)
        tpu.yield
      }) : () -> ()
      %mul3A_60 = arith.constant 2 : i32
      %mul3A_61 = arith.muli %mul3A_60, %scan3A_44 : i32
      %add3A_62 = arith.constant 1 : i32
      %add3A_63 = arith.addi %mul3A_61, %add3A_62 : i32
      %lt3A_64 = arith.constant 125 : i32
      %lt3A_65 = arith.cmpi slt, %add3A_63, %lt3A_64 : i32
      %convert_element_type3A_66 = arith.extui %lt3A_65 : i1 to i32
      %cond3A_67 = arith.constant 0 : i32
      %cond3A_68 = arith.cmpi ne, %convert_element_type3A_66, %cond3A_67 : i32
      scf.if %cond3A_68 {
        %mul3A_69 = arith.constant 2 : i32
        %mul3A_70 = arith.muli %mul3A_69, %scan3A_44 : i32
        %add3A_71 = arith.constant 1 : i32
        %add3A_72 = arith.addi %mul3A_70, %add3A_71 : i32
        %add3A_73 = arith.constant 1 : i32
        %add3A_74 = arith.addi %add3A_72, %add3A_73 : i32
        %lt3A_75 = arith.constant 125 : i32
        %lt3A_76 = arith.cmpi slt, %add3A_74, %lt3A_75 : i32
        %convert_element_type3A_77 = arith.extui %lt3A_76 : i1 to i32
        %cond3A_78 = arith.constant 0 : i32
        %cond3A_79 = arith.cmpi ne, %convert_element_type3A_77, %cond3A_78 : i32
        scf.if %cond3A_79 {
          %add3A_90 = arith.constant 320000 : i32
          %add3A_91 = arith.addi %add3A_90, %mul3A_2 : i32
          %add3A_92 = arith.constant 1 : i32
          %add3A_93 = arith.addi %add3A_72, %add3A_92 : i32
          %mul3A_94 = arith.constant 80 : i32
          %mul3A_95 = arith.muli %add3A_93, %mul3A_94 : i32
          %add3A_96 = arith.addi %add3A_91, %mul3A_95 : i32
          %dma_start3A_97 = tpu.memref_slice %arg3[%add3A_96] : memref<640000xi32, #tpu.memory_space<hbm>> -> memref<80xi32, #tpu.memory_space<hbm>>
          %dma_start3A_98 = tpu.memref_slice %arg3[%add3A_96] : memref<640000xi32, #tpu.memory_space<hbm>> -> memref<80xi32, #tpu.memory_space<hbm>>
          tpu.enqueue_dma source(%dma_start3A_98 : memref<80xi32, #tpu.memory_space<hbm>>) target(%arg6 : memref<80xi32, #tpu.memory_space<vmem>>) target_semaphore(%arg13 : memref<!tpu.dma_semaphore, #tpu.memory_space<semaphore_mem>>)
          %add3A_99 = arith.constant 1 : i32
          %add3A_100 = arith.addi %add3A_72, %add3A_99 : i32
          %mul3A_101 = arith.constant 80 : i32
          %mul3A_102 = arith.muli %add3A_100, %mul3A_101 : i32
          %dma_start3A_103 = tpu.memref_slice %arg5[%mul3A_102] : memref<10000xi32, #tpu.memory_space<vmem>> -> memref<80xi32, #tpu.memory_space<vmem>>
          %dma_start3A_104 = arith.constant 0 : i32
          %dma_start3A_105 = arith.constant 0 : i32
          %dma_start3A_106 = tpu.memref_slice %arg2[%dma_start3A_104, %dma_start3A_105] : memref<10000x128xf32, #tpu.memory_space<hbm>> -> memref<10000x128xf32, #tpu.memory_space<hbm>>
          tpu.enqueue_indirect_dma source(%dma_start3A_106 : memref<10000x128xf32, #tpu.memory_space<hbm>>) target(%arg8 : memref<80x128xf32, #tpu.memory_space<vmem>>) offsets(%dma_start3A_103 : memref<80xi32, #tpu.memory_space<vmem>>) semaphore(%arg11 : memref<!tpu.dma_semaphore, #tpu.memory_space<semaphore_mem>>)
        } else {
        }
        %dma_wait3A_80 = arith.constant 0 : i32
        %dma_wait3A_81 = tpu.memref_slice %arg3[%dma_wait3A_80] : memref<640000xi32, #tpu.memory_space<hbm>> -> memref<80xi32, #tpu.memory_space<hbm>>
        %dma_wait3A_82 = arith.constant 0 : i32
        %dma_wait3A_83 = tpu.memref_slice %arg3[%dma_wait3A_82] : memref<640000xi32, #tpu.memory_space<hbm>> -> memref<80xi32, #tpu.memory_space<hbm>>
        tpu.wait_dma2 semaphore(%arg14 : memref<!tpu.dma_semaphore, #tpu.memory_space<semaphore_mem>>) src(%dma_wait3A_83 : memref<80xi32, #tpu.memory_space<hbm>>) dst(%arg7 : memref<80xi32, #tpu.memory_space<vmem>>)
        %dma_wait3A_84 = arith.constant 0 : i32
        %dma_wait3A_85 = arith.constant 0 : i32
        %dma_wait3A_86 = tpu.memref_slice %arg2[%dma_wait3A_84, %dma_wait3A_85] : memref<10000x128xf32, #tpu.memory_space<hbm>> -> memref<80x128xf32, #tpu.memory_space<hbm>>
        %dma_wait3A_87 = arith.constant 0 : i32
        %dma_wait3A_88 = arith.constant 0 : i32
        %dma_wait3A_89 = tpu.memref_slice %arg2[%dma_wait3A_87, %dma_wait3A_88] : memref<10000x128xf32, #tpu.memory_space<hbm>> -> memref<80x128xf32, #tpu.memory_space<hbm>>
        tpu.wait_dma2 semaphore(%arg12 : memref<!tpu.dma_semaphore, #tpu.memory_space<semaphore_mem>>) src(%dma_wait3A_89 : memref<80x128xf32, #tpu.memory_space<hbm>>) dst(%arg9 : memref<80x128xf32, #tpu.memory_space<vmem>>)
        "tpu.region"() ({
          %run_scoped3A = tpu.sem_alloc : memref<!tpu.dma_semaphore, #tpu.memory_space<semaphore_mem>>
          %dma_start3A_90 = arith.constant 0 : i32
          %dma_start3A_91 = arith.constant 0 : i32
          %dma_start3A_92 = tpu.memref_slice %arg10[%dma_start3A_90, %dma_start3A_91] : memref<10240x128xf32, #tpu.memory_space<vmem_shared>> -> memref<10240x128xf32, #tpu.memory_space<vmem_shared>>
          tpu.enqueue_indirect_dma source(%arg9 : memref<80x128xf32, #tpu.memory_space<vmem>>) target(%dma_start3A_92 : memref<10240x128xf32, #tpu.memory_space<vmem_shared>>) offsets(%arg7 : memref<80xi32, #tpu.memory_space<vmem>>) semaphore(%run_scoped3A : memref<!tpu.dma_semaphore, #tpu.memory_space<semaphore_mem>>) {add = true}
          %dma_wait3A_93 = arith.constant 0 : i32
          %dma_wait3A_94 = arith.constant 0 : i32
          %dma_wait3A_95 = tpu.memref_slice %arg10[%dma_wait3A_93, %dma_wait3A_94] : memref<10240x128xf32, #tpu.memory_space<vmem_shared>> -> memref<10240x128xf32, #tpu.memory_space<vmem_shared>>
          tpu.wait_indirect_dma semaphore(%run_scoped3A : memref<!tpu.dma_semaphore, #tpu.memory_space<semaphore_mem>>) src(%arg9 : memref<80x128xf32, #tpu.memory_space<vmem>>) dst(%dma_wait3A_95 : memref<10240x128xf32, #tpu.memory_space<vmem_shared>>)
          tpu.yield
        }) : () -> ()
      } else {
      }
    }
    %scan3A_42 = arith.constant 63 : i32
    %barrier3A_43 = arith.constant 0 : index
    tpu.barrier barrier_id(%barrier3A_43)
    "tpu.region"() ({
      %run_scoped3A = tpu.sem_alloc : memref<!tpu.dma_semaphore, #tpu.memory_space<semaphore_mem>>
      %dma_start3A_44 = arith.constant 0 : i32
      %dma_start3A_45 = tpu.memref_slice %arg4[%arg0, %mul3A_12, %dma_start3A_44] : memref<2x10240x128xf32, #tpu.memory_space<hbm>> -> memref<1x640x128xf32, #tpu.memory_space<hbm>>
      %dma_start3A_46 = tpu.memref_squeeze %dma_start3A_45 : memref<1x640x128xf32, #tpu.memory_space<hbm>> -> memref<640x128xf32, #tpu.memory_space<hbm>>
      %dma_start3A_47 = arith.constant 0 : i32
      %dma_start3A_48 = tpu.memref_slice %arg10[%mul3A_12, %dma_start3A_47] : memref<10240x128xf32, #tpu.memory_space<vmem_shared>> -> memref<640x128xf32, #tpu.memory_space<vmem_shared>>
      tpu.enqueue_dma source(%dma_start3A_48 : memref<640x128xf32, #tpu.memory_space<vmem_shared>>) target(%dma_start3A_46 : memref<640x128xf32, #tpu.memory_space<hbm>>) target_semaphore(%run_scoped3A : memref<!tpu.dma_semaphore, #tpu.memory_space<semaphore_mem>>)
      %dma_wait3A = arith.constant 0 : i32
      %dma_wait3A_49 = tpu.memref_slice %arg4[%arg0, %mul3A_12, %dma_wait3A] : memref<2x10240x128xf32, #tpu.memory_space<hbm>> -> memref<1x640x128xf32, #tpu.memory_space<hbm>>
      %dma_wait3A_50 = tpu.memref_squeeze %dma_wait3A_49 : memref<1x640x128xf32, #tpu.memory_space<hbm>> -> memref<640x128xf32, #tpu.memory_space<hbm>>
      %dma_wait3A_51 = arith.constant 0 : i32
      %dma_wait3A_52 = tpu.memref_slice %arg10[%mul3A_12, %dma_wait3A_51] : memref<10240x128xf32, #tpu.memory_space<vmem_shared>> -> memref<640x128xf32, #tpu.memory_space<vmem_shared>>
      tpu.wait_dma2 semaphore(%run_scoped3A : memref<!tpu.dma_semaphore, #tpu.memory_space<semaphore_mem>>) src(%dma_wait3A_52 : memref<640x128xf32, #tpu.memory_space<vmem_shared>>) dst(%dma_wait3A_50 : memref<640x128xf32, #tpu.memory_space<hbm>>)
      tpu.yield
    }) : () -> ()
    return
  }
}

module attributes {stable_mosaic.version = 14 : i64} {
  func.func @_tc_h1_body(%arg0: i32, %arg1: memref<2000x128xf32, #tpu.memory_space<vmem>>, %arg2: memref<2x2000x128xf32, #tpu.memory_space<vmem>>, %arg3: memref<1x2000x32xi32, #tpu.memory_space<vmem>>, %arg4: memref<128x128xf32, #tpu.memory_space<vmem>>, %arg5: memref<1x128xf32, #tpu.memory_space<vmem>>, %arg6: memref<128x128xf32, #tpu.memory_space<vmem>>, %arg7: memref<128x128xf32, #tpu.memory_space<vmem>>, %arg8: memref<1x128xf32, #tpu.memory_space<vmem>>, %arg9: memref<2000x128xf32, #tpu.memory_space<vmem>>) attributes {dimension_semantics = [#tpu.dimension_semantics<arbitrary>], iteration_bounds = array<i64: 5>, scalar_prefetch = 0 : i64, scratch_operands = 0 : i64, tpu.core_type = #tpu.core_type<tc>, window_params = [{transform_indices = @transform_0, window_bounds = array<i64: 2000, 128>}, {transform_indices = @transform_1, window_bounds = array<i64: 2, 2000, 128>}, {transform_indices = @transform_2, window_bounds = array<i64: 1, 2000, 32>}, {pipeline_mode = #tpu.pipeline_mode<synchronous>, transform_indices = @transform_3, window_bounds = array<i64: 128, 128>}, {pipeline_mode = #tpu.pipeline_mode<synchronous>, transform_indices = @transform_4, window_bounds = array<i64: 1, 128>}, {pipeline_mode = #tpu.pipeline_mode<synchronous>, transform_indices = @transform_5, window_bounds = array<i64: 128, 128>}, {pipeline_mode = #tpu.pipeline_mode<synchronous>, transform_indices = @transform_6, window_bounds = array<i64: 128, 128>}, {pipeline_mode = #tpu.pipeline_mode<synchronous>, transform_indices = @transform_7, window_bounds = array<i64: 1, 128>}, {transform_indices = @transform_8, window_bounds = array<i64: 2000, 128>}]} {
    %get3A = arith.constant 0 : index
    %get3A_0 = arith.constant 0 : index
    %get3A_1 = vector.load %arg1[%get3A, %get3A_0] : memref<2000x128xf32, #tpu.memory_space<vmem>>, vector<2000x128xf32>
    %broadcast_in_dim3A = arith.constant 1.000000e+00 : f32
    %broadcast_in_dim3A_2 = vector.broadcast %broadcast_in_dim3A : f32 to vector<32x1xf32>
    %get3A_3 = arith.constant 0 : index
    %get3A_4 = arith.constant 0 : index
    %get3A_5 = arith.constant 0 : index
    %get3A_6 = vector.load %arg3[%get3A_3, %get3A_4, %get3A_5] : memref<1x2000x32xi32, #tpu.memory_space<vmem>>, vector<1x2000x32xi32>
    %get3A_7 = vector.shape_cast %get3A_6 : vector<1x2000x32xi32> to vector<2000x32xi32>
    %shift_right_arithmetic3A = arith.constant 14 : i32
    %shift_right_arithmetic3A_8 = vector.broadcast %shift_right_arithmetic3A : i32 to vector<2000x32xi32>
    %shift_right_arithmetic3A_9 = arith.shrsi %get3A_7, %shift_right_arithmetic3A_8 : vector<2000x32xi32>
    %convert_element_type3A = arith.sitofp %shift_right_arithmetic3A_9 : vector<2000x32xi32> to vector<2000x32xf32>
    %dot_general3A = arith.constant dense<0.000000e+00> : vector<2000x1xf32>
    %dot_general3A_10 = tpu.matmul %convert_element_type3A, %broadcast_in_dim3A_2, %dot_general3A {dimension_numbers = #tpu.dot_dimension_numbers<[1], [0], [0], [1], [0, 0, 1, 1], [], []>, transpose_lhs_hint = false} : vector<2000x32xf32>, vector<32x1xf32>, vector<2000x1xf32> -> vector<2000x1xf32>
    %get3A_11 = arith.constant 0 : index
    %get3A_12 = arith.constant 0 : index
    %get3A_13 = vector.load %arg4[%get3A_11, %get3A_12] : memref<128x128xf32, #tpu.memory_space<vmem>>, vector<128x128xf32>
    %dot_general3A_14 = arith.constant dense<0.000000e+00> : vector<2000x128xf32>
    %dot_general3A_15 = tpu.matmul %get3A_1, %get3A_13, %dot_general3A_14 {dimension_numbers = #tpu.dot_dimension_numbers<[1], [0], [0], [1], [0, 0, 1, 1], [], []>, transpose_lhs_hint = false} : vector<2000x128xf32>, vector<128x128xf32>, vector<2000x128xf32> -> vector<2000x128xf32>
    %get3A_16 = arith.constant 0 : index
    %get3A_17 = arith.constant 0 : index
    %get3A_18 = vector.load %arg5[%get3A_16, %get3A_17] : memref<1x128xf32, #tpu.memory_space<vmem>>, vector<1x128xf32>
    %add3A = vector.broadcast %get3A_18 : vector<1x128xf32> to vector<2000x128xf32>
    %add3A_19 = arith.addf %dot_general3A_15, %add3A : vector<2000x128xf32>
    %get3A_20 = arith.constant 0 : index
    %get3A_21 = arith.constant 0 : index
    %get3A_22 = arith.constant 0 : index
    %get3A_23 = vector.load %arg2[%get3A_20, %get3A_21, %get3A_22] : memref<2x2000x128xf32, #tpu.memory_space<vmem>>, vector<1x2000x128xf32>
    %get3A_24 = vector.shape_cast %get3A_23 : vector<1x2000x128xf32> to vector<2000x128xf32>
    %get3A_25 = arith.constant 1 : index
    %get3A_26 = arith.constant 0 : index
    %get3A_27 = arith.constant 0 : index
    %get3A_28 = vector.load %arg2[%get3A_25, %get3A_26, %get3A_27] : memref<2x2000x128xf32, #tpu.memory_space<vmem>>, vector<1x2000x128xf32>
    %get3A_29 = vector.shape_cast %get3A_28 : vector<1x2000x128xf32> to vector<2000x128xf32>
    %add3A_30 = arith.addf %get3A_24, %get3A_29 : vector<2000x128xf32>
    %mul3A = vector.broadcast %dot_general3A_10 : vector<2000x1xf32> to vector<2000x128xf32>
    %mul3A_31 = arith.mulf %mul3A, %add3A_19 : vector<2000x128xf32>
    %get3A_32 = arith.constant 0 : index
    %get3A_33 = arith.constant 0 : index
    %get3A_34 = vector.load %arg6[%get3A_32, %get3A_33] : memref<128x128xf32, #tpu.memory_space<vmem>>, vector<128x128xf32>
    %dot_general3A_35 = arith.constant dense<0.000000e+00> : vector<2000x128xf32>
    %dot_general3A_36 = tpu.matmul %add3A_30, %get3A_34, %dot_general3A_35 {dimension_numbers = #tpu.dot_dimension_numbers<[1], [0], [0], [1], [0, 0, 1, 1], [], []>, transpose_lhs_hint = false} : vector<2000x128xf32>, vector<128x128xf32>, vector<2000x128xf32> -> vector<2000x128xf32>
    %sub3A = arith.subf %mul3A_31, %dot_general3A_36 : vector<2000x128xf32>
    %get3A_37 = arith.constant 0 : index
    %get3A_38 = arith.constant 0 : index
    %get3A_39 = vector.load %arg7[%get3A_37, %get3A_38] : memref<128x128xf32, #tpu.memory_space<vmem>>, vector<128x128xf32>
    %dot_general3A_40 = arith.constant dense<0.000000e+00> : vector<2000x128xf32>
    %dot_general3A_41 = tpu.matmul %get3A_1, %get3A_39, %dot_general3A_40 {dimension_numbers = #tpu.dot_dimension_numbers<[1], [0], [0], [1], [0, 0, 1, 1], [], []>, transpose_lhs_hint = false} : vector<2000x128xf32>, vector<128x128xf32>, vector<2000x128xf32> -> vector<2000x128xf32>
    %add3A_42 = arith.addf %sub3A, %dot_general3A_41 : vector<2000x128xf32>
    %get3A_43 = arith.constant 0 : index
    %get3A_44 = arith.constant 0 : index
    %get3A_45 = vector.load %arg8[%get3A_43, %get3A_44] : memref<1x128xf32, #tpu.memory_space<vmem>>, vector<1x128xf32>
    %add3A_46 = vector.broadcast %get3A_45 : vector<1x128xf32> to vector<2000x128xf32>
    %add3A_47 = arith.addf %add3A_42, %add3A_46 : vector<2000x128xf32>
    %max3A = arith.constant 0.000000e+00 : f32
    %max3A_48 = vector.broadcast %max3A : f32 to vector<2000x128xf32>
    %max3A_49 = arith.maximumf %add3A_47, %max3A_48 : vector<2000x128xf32>
    %swap3A = arith.constant 0 : index
    %swap3A_50 = arith.constant 0 : index
    %swap3A_51 = vector.load %arg9[%swap3A, %swap3A_50] : memref<2000x128xf32, #tpu.memory_space<vmem>>, vector<2000x128xf32>
    tpu.vector_store %arg9[%swap3A, %swap3A_50], %max3A_49 {strides = array<i32>} : memref<2000x128xf32, #tpu.memory_space<vmem>>, vector<2000x128xf32>,
    return
  }
  func.func @transform_0(%arg0: i32) -> (i32, i32) {
    %c0_i32 = arith.constant 0 : i32
    %c0_i32_0 = arith.constant 0 : i32
    return %arg0, %c0_i32 : i32, i32
  }
  func.func @transform_1(%arg0: i32) -> (i32, i32, i32) {
    %c0_i32 = arith.constant 0 : i32
    %c0_i32_0 = arith.constant 0 : i32
    %c0_i32_1 = arith.constant 0 : i32
    return %c0_i32, %arg0, %c0_i32_0 : i32, i32, i32
  }
  func.func @transform_2(%arg0: i32) -> (i32, i32, i32) {
    %c0_i32 = arith.constant 0 : i32
    %c0_i32_0 = arith.constant 0 : i32
    %c0_i32_1 = arith.constant 0 : i32
    return %arg0, %c0_i32, %c0_i32_0 : i32, i32, i32
  }
  func.func @transform_3(%arg0: i32) -> (i32, i32) {
    %c0_i32 = arith.constant 0 : i32
    %c0_i32_0 = arith.constant 0 : i32
    %c0_i32_1 = arith.constant 0 : i32
    return %c0_i32, %c0_i32_0 : i32, i32
  }
  func.func @transform_4(%arg0: i32) -> (i32, i32) {
    %c0_i32 = arith.constant 0 : i32
    %c0_i32_0 = arith.constant 0 : i32
    %c0_i32_1 = arith.constant 0 : i32
    return %c0_i32, %c0_i32_0 : i32, i32
  }
  func.func @transform_5(%arg0: i32) -> (i32, i32) {
    %c0_i32 = arith.constant 0 : i32
    %c0_i32_0 = arith.constant 0 : i32
    %c0_i32_1 = arith.constant 0 : i32
    return %c0_i32, %c0_i32_0 : i32, i32
  }
  func.func @transform_6(%arg0: i32) -> (i32, i32) {
    %c0_i32 = arith.constant 0 : i32
    %c0_i32_0 = arith.constant 0 : i32
    %c0_i32_1 = arith.constant 0 : i32
    return %c0_i32, %c0_i32_0 : i32, i32
  }
  func.func @transform_7(%arg0: i32) -> (i32, i32) {
    %c0_i32 = arith.constant 0 : i32
    %c0_i32_0 = arith.constant 0 : i32
    %c0_i32_1 = arith.constant 0 : i32
    return %c0_i32, %c0_i32_0 : i32, i32
  }
  func.func @transform_8(%arg0: i32) -> (i32, i32) {
    %c0_i32 = arith.constant 0 : i32
    %c0_i32_0 = arith.constant 0 : i32
    return %arg0, %c0_i32 : i32, i32
  }
}

module attributes {stable_mosaic.version = 14 : i64} {
  func.func @_tc_h3_body(%arg0: i32, %arg1: memref<2000x128xf32, #tpu.memory_space<vmem>>, %arg2: memref<2x2000x128xf32, #tpu.memory_space<vmem>>, %arg3: memref<1x2000x32xi32, #tpu.memory_space<vmem>>, %arg4: memref<2000x1xi32, #tpu.memory_space<vmem>>, %arg5: memref<128x128xf32, #tpu.memory_space<vmem>>, %arg6: memref<1x128xf32, #tpu.memory_space<vmem>>, %arg7: memref<128x128xf32, #tpu.memory_space<vmem>>, %arg8: memref<128x128xf32, #tpu.memory_space<vmem>>, %arg9: memref<1x128xf32, #tpu.memory_space<vmem>>, %arg10: memref<128x128xf32, #tpu.memory_space<vmem>>, %arg11: memref<1x128xf32, #tpu.memory_space<vmem>>, %arg12: memref<128x128xf32, #tpu.memory_space<vmem>>, %arg13: memref<128x128xf32, #tpu.memory_space<vmem>>, %arg14: memref<128x1xf32, #tpu.memory_space<vmem>>) attributes {dimension_semantics = [#tpu.dimension_semantics<arbitrary>], iteration_bounds = array<i64: 5>, scalar_prefetch = 0 : i64, scratch_operands = 2 : i64, tpu.core_type = #tpu.core_type<tc>, window_params = [{transform_indices = @transform_0, window_bounds = array<i64: 2000, 128>}, {transform_indices = @transform_1, window_bounds = array<i64: 2, 2000, 128>}, {transform_indices = @transform_2, window_bounds = array<i64: 1, 2000, 32>}, {transform_indices = @transform_3, window_bounds = array<i64: 2000, 1>}, {pipeline_mode = #tpu.pipeline_mode<synchronous>, transform_indices = @transform_4, window_bounds = array<i64: 128, 128>}, {pipeline_mode = #tpu.pipeline_mode<synchronous>, transform_indices = @transform_5, window_bounds = array<i64: 1, 128>}, {pipeline_mode = #tpu.pipeline_mode<synchronous>, transform_indices = @transform_6, window_bounds = array<i64: 128, 128>}, {pipeline_mode = #tpu.pipeline_mode<synchronous>, transform_indices = @transform_7, window_bounds = array<i64: 128, 128>}, {pipeline_mode = #tpu.pipeline_mode<synchronous>, transform_indices = @transform_8, window_bounds = array<i64: 1, 128>}, {pipeline_mode = #tpu.pipeline_mode<synchronous>, transform_indices = @transform_9, window_bounds = array<i64: 128, 128>}, {pipeline_mode = #tpu.pipeline_mode<synchronous>, transform_indices = @transform_10, window_bounds = array<i64: 1, 128>}, {pipeline_mode = #tpu.pipeline_mode<synchronous>, transform_indices = @transform_11, window_bounds = array<i64: 128, 128>}]} {
    %get3A = arith.constant 0 : index
    %get3A_0 = arith.constant 0 : index
    %get3A_1 = vector.load %arg1[%get3A, %get3A_0] : memref<2000x128xf32, #tpu.memory_space<vmem>>, vector<2000x128xf32>
    %broadcast_in_dim3A = arith.constant 1.000000e+00 : f32
    %broadcast_in_dim3A_2 = vector.broadcast %broadcast_in_dim3A : f32 to vector<32x1xf32>
    %get3A_3 = arith.constant 0 : index
    %get3A_4 = arith.constant 0 : index
    %get3A_5 = arith.constant 0 : index
    %get3A_6 = vector.load %arg3[%get3A_3, %get3A_4, %get3A_5] : memref<1x2000x32xi32, #tpu.memory_space<vmem>>, vector<1x2000x32xi32>
    %get3A_7 = vector.shape_cast %get3A_6 : vector<1x2000x32xi32> to vector<2000x32xi32>
    %shift_right_arithmetic3A = arith.constant 14 : i32
    %shift_right_arithmetic3A_8 = vector.broadcast %shift_right_arithmetic3A : i32 to vector<2000x32xi32>
    %shift_right_arithmetic3A_9 = arith.shrsi %get3A_7, %shift_right_arithmetic3A_8 : vector<2000x32xi32>
    %convert_element_type3A = arith.sitofp %shift_right_arithmetic3A_9 : vector<2000x32xi32> to vector<2000x32xf32>
    %and3A = arith.constant 16383 : i32
    %and3A_10 = vector.broadcast %and3A : i32 to vector<2000x32xi32>
    %and3A_11 = arith.andi %get3A_7, %and3A_10 : vector<2000x32xi32>
    %convert_element_type3A_12 = arith.sitofp %and3A_11 : vector<2000x32xi32> to vector<2000x32xf32>
    %dot_general3A = arith.constant dense<0.000000e+00> : vector<2000x1xf32>
    %dot_general3A_13 = tpu.matmul %convert_element_type3A, %broadcast_in_dim3A_2, %dot_general3A {dimension_numbers = #tpu.dot_dimension_numbers<[1], [0], [0], [1], [0, 0, 1, 1], [], []>, transpose_lhs_hint = false} : vector<2000x32xf32>, vector<32x1xf32>, vector<2000x1xf32> -> vector<2000x1xf32>
    %dot_general3A_14 = arith.constant dense<0.000000e+00> : vector<2000x1xf32>
    %dot_general3A_15 = tpu.matmul %convert_element_type3A_12, %broadcast_in_dim3A_2, %dot_general3A_14 {dimension_numbers = #tpu.dot_dimension_numbers<[1], [0], [0], [1], [0, 0, 1, 1], [], []>, transpose_lhs_hint = false} : vector<2000x32xf32>, vector<32x1xf32>, vector<2000x1xf32> -> vector<2000x1xf32>
    %sub3A = arith.subf %dot_general3A_13, %dot_general3A_15 : vector<2000x1xf32>
    %add3A = arith.constant 1.000000e+00 : f32
    %add3A_16 = vector.broadcast %add3A : f32 to vector<2000x1xf32>
    %add3A_17 = arith.addf %sub3A, %add3A_16 : vector<2000x1xf32>
    %max3A = arith.constant 1.000000e+00 : f32
    %max3A_18 = vector.broadcast %max3A : f32 to vector<2000x1xf32>
    %max3A_19 = arith.maximumf %add3A_17, %max3A_18 : vector<2000x1xf32>
    %div3A = arith.constant 1.000000e+00 : f32
    %div3A_20 = vector.broadcast %div3A : f32 to vector<2000x1xf32>
    %div3A_21 = arith.divf %div3A_20, %max3A_19 : vector<2000x1xf32>
    %get3A_22 = arith.constant 0 : index
    %get3A_23 = arith.constant 0 : index
    %get3A_24 = arith.constant 0 : index
    %get3A_25 = vector.load %arg2[%get3A_22, %get3A_23, %get3A_24] : memref<2x2000x128xf32, #tpu.memory_space<vmem>>, vector<1x2000x128xf32>
    %get3A_26 = vector.shape_cast %get3A_25 : vector<1x2000x128xf32> to vector<2000x128xf32>
    %get3A_27 = arith.constant 1 : index
    %get3A_28 = arith.constant 0 : index
    %get3A_29 = arith.constant 0 : index
    %get3A_30 = vector.load %arg2[%get3A_27, %get3A_28, %get3A_29] : memref<2x2000x128xf32, #tpu.memory_space<vmem>>, vector<1x2000x128xf32>
    %get3A_31 = vector.shape_cast %get3A_30 : vector<1x2000x128xf32> to vector<2000x128xf32>
    %add3A_32 = arith.addf %get3A_26, %get3A_31 : vector<2000x128xf32>
    %mul3A = vector.broadcast %dot_general3A_15 : vector<2000x1xf32> to vector<2000x128xf32>
    %mul3A_33 = arith.mulf %mul3A, %get3A_1 : vector<2000x128xf32>
    %sub3A_34 = arith.subf %add3A_32, %mul3A_33 : vector<2000x128xf32>
    %add3A_35 = arith.addf %sub3A_34, %get3A_1 : vector<2000x128xf32>
    %mul3A_36 = vector.broadcast %div3A_21 : vector<2000x1xf32> to vector<2000x128xf32>
    %mul3A_37 = arith.mulf %mul3A_36, %add3A_35 : vector<2000x128xf32>
    %get3A_38 = arith.constant 0 : index
    %get3A_39 = arith.constant 0 : index
    %get3A_40 = vector.load %arg5[%get3A_38, %get3A_39] : memref<128x128xf32, #tpu.memory_space<vmem>>, vector<128x128xf32>
    %dot_general3A_41 = arith.constant dense<0.000000e+00> : vector<2000x128xf32>
    %dot_general3A_42 = tpu.matmul %mul3A_37, %get3A_40, %dot_general3A_41 {dimension_numbers = #tpu.dot_dimension_numbers<[1], [0], [0], [1], [0, 0, 1, 1], [], []>, transpose_lhs_hint = false} : vector<2000x128xf32>, vector<128x128xf32>, vector<2000x128xf32> -> vector<2000x128xf32>
    %get3A_43 = arith.constant 0 : index
    %get3A_44 = arith.constant 0 : index
    %get3A_45 = vector.load %arg6[%get3A_43, %get3A_44] : memref<1x128xf32, #tpu.memory_space<vmem>>, vector<1x128xf32>
    %add3A_46 = vector.broadcast %get3A_45 : vector<1x128xf32> to vector<2000x128xf32>
    %add3A_47 = arith.addf %dot_general3A_42, %add3A_46 : vector<2000x128xf32>
    %get3A_48 = arith.constant 0 : index
    %get3A_49 = arith.constant 0 : index
    %get3A_50 = vector.load %arg7[%get3A_48, %get3A_49] : memref<128x128xf32, #tpu.memory_space<vmem>>, vector<128x128xf32>
    %dot_general3A_51 = arith.constant dense<0.000000e+00> : vector<2000x128xf32>
    %dot_general3A_52 = tpu.matmul %get3A_1, %get3A_50, %dot_general3A_51 {dimension_numbers = #tpu.dot_dimension_numbers<[1], [0], [0], [1], [0, 0, 1, 1], [], []>, transpose_lhs_hint = false} : vector<2000x128xf32>, vector<128x128xf32>, vector<2000x128xf32> -> vector<2000x128xf32>
    %add3A_53 = arith.addf %add3A_47, %dot_general3A_52 : vector<2000x128xf32>
    %max3A_54 = arith.constant 0.000000e+00 : f32
    %max3A_55 = vector.broadcast %max3A_54 : f32 to vector<2000x128xf32>
    %max3A_56 = arith.maximumf %add3A_53, %max3A_55 : vector<2000x128xf32>
    %iota3A = tpu.iota {dimensions = array<i32: 1>} : vector<1x128xi32>
    %get3A_57 = arith.constant 0 : index
    %get3A_58 = arith.constant 0 : index
    %get3A_59 = vector.load %arg4[%get3A_57, %get3A_58] : memref<2000x1xi32, #tpu.memory_space<vmem>>, vector<2000x1xi32>
    %eq3A = vector.broadcast %get3A_59 : vector<2000x1xi32> to vector<2000x128xi32>
    %eq3A_60 = vector.broadcast %iota3A : vector<1x128xi32> to vector<2000x128xi32>
    %eq3A_61 = arith.cmpi eq, %eq3A, %eq3A_60 : vector<2000x128xi32>
    %convert_element_type3A_62 = arith.extui %eq3A_61 : vector<2000x128xi1> to vector<2000x128xi32>
    %convert_element_type3A_63 = arith.sitofp %convert_element_type3A_62 : vector<2000x128xi32> to vector<2000x128xf32>
    %dot_general3A_64 = arith.constant dense<0.000000e+00> : vector<128x128xf32>
    %dot_general3A_65 = tpu.matmul %convert_element_type3A_63, %max3A_56, %dot_general3A_64 {dimension_numbers = #tpu.dot_dimension_numbers<[0], [0], [1], [1], [0, 1, 1, 1], [], []>, transpose_lhs_hint = false} : vector<2000x128xf32>, vector<2000x128xf32>, vector<128x128xf32> -> vector<128x128xf32>
    %broadcast_in_dim3A_66 = arith.constant 1.000000e+00 : f32
    %broadcast_in_dim3A_67 = vector.broadcast %broadcast_in_dim3A_66 : f32 to vector<2000x1xf32>
    %dot_general3A_68 = arith.constant dense<0.000000e+00> : vector<128x1xf32>
    %dot_general3A_69 = tpu.matmul %convert_element_type3A_63, %broadcast_in_dim3A_67, %dot_general3A_68 {dimension_numbers = #tpu.dot_dimension_numbers<[0], [0], [1], [1], [0, 1, 1, 1], [], []>, transpose_lhs_hint = false} : vector<2000x128xf32>, vector<2000x1xf32>, vector<128x1xf32> -> vector<128x1xf32>
    %eq3A_70 = arith.constant 0 : i32
    %eq3A_71 = arith.cmpi eq, %arg0, %eq3A_70 : i32
    %convert_element_type3A_72 = arith.extui %eq3A_71 : i1 to i32
    %cond3A = arith.constant 0 : i32
    %cond3A_73 = arith.cmpi ne, %convert_element_type3A_72, %cond3A : i32
    scf.if %cond3A_73 {
      %swap3A = arith.constant 0 : index
      %swap3A_83 = arith.constant 0 : index
      %swap3A_84 = vector.load %arg13[%swap3A, %swap3A_83] : memref<128x128xf32, #tpu.memory_space<vmem>>, vector<128x128xf32>
      tpu.vector_store %arg13[%swap3A, %swap3A_83], %dot_general3A_65 {strides = array<i32>} : memref<128x128xf32, #tpu.memory_space<vmem>>, vector<128x128xf32>,
      %swap3A_85 = arith.constant 0 : index
      %swap3A_86 = arith.constant 0 : index
      %swap3A_87 = vector.load %arg14[%swap3A_85, %swap3A_86] : memref<128x1xf32, #tpu.memory_space<vmem>>, vector<128x1xf32>
      tpu.vector_store %arg14[%swap3A_85, %swap3A_86], %dot_general3A_69 {strides = array<i32>} : memref<128x1xf32, #tpu.memory_space<vmem>>, vector<128x1xf32>,
    } else {
    }
    %gt3A = arith.constant 0 : i32
    %gt3A_74 = arith.cmpi sgt, %arg0, %gt3A : i32
    %convert_element_type3A_75 = arith.extui %gt3A_74 : i1 to i32
    %cond3A_76 = arith.constant 0 : i32
    %cond3A_77 = arith.cmpi ne, %convert_element_type3A_75, %cond3A_76 : i32
    scf.if %cond3A_77 {
      %get3A_83 = arith.constant 0 : index
      %get3A_84 = arith.constant 0 : index
      %get3A_85 = vector.load %arg13[%get3A_83, %get3A_84] : memref<128x128xf32, #tpu.memory_space<vmem>>, vector<128x128xf32>
      %add3A_86 = arith.addf %get3A_85, %dot_general3A_65 : vector<128x128xf32>
      %swap3A = arith.constant 0 : index
      %swap3A_87 = arith.constant 0 : index
      %swap3A_88 = vector.load %arg13[%swap3A, %swap3A_87] : memref<128x128xf32, #tpu.memory_space<vmem>>, vector<128x128xf32>
      tpu.vector_store %arg13[%swap3A, %swap3A_87], %add3A_86 {strides = array<i32>} : memref<128x128xf32, #tpu.memory_space<vmem>>, vector<128x128xf32>,
      %get3A_89 = arith.constant 0 : index
      %get3A_90 = arith.constant 0 : index
      %get3A_91 = vector.load %arg14[%get3A_89, %get3A_90] : memref<128x1xf32, #tpu.memory_space<vmem>>, vector<128x1xf32>
      %add3A_92 = arith.addf %get3A_91, %dot_general3A_69 : vector<128x1xf32>
      %swap3A_93 = arith.constant 0 : index
      %swap3A_94 = arith.constant 0 : index
      %swap3A_95 = vector.load %arg14[%swap3A_93, %swap3A_94] : memref<128x1xf32, #tpu.memory_space<vmem>>, vector<128x1xf32>
      tpu.vector_store %arg14[%swap3A_93, %swap3A_94], %add3A_92 {strides = array<i32>} : memref<128x1xf32, #tpu.memory_space<vmem>>, vector<128x1xf32>,
    } else {
    }
    %eq3A_78 = arith.constant 4 : i32
    %eq3A_79 = arith.cmpi eq, %arg0, %eq3A_78 : i32
    %convert_element_type3A_80 = arith.extui %eq3A_79 : i1 to i32
    %cond3A_81 = arith.constant 0 : i32
    %cond3A_82 = arith.cmpi ne, %convert_element_type3A_80, %cond3A_81 : i32
    scf.if %cond3A_82 {
      %get3A_83 = arith.constant 0 : index
      %get3A_84 = arith.constant 0 : index
      %get3A_85 = vector.load %arg13[%get3A_83, %get3A_84] : memref<128x128xf32, #tpu.memory_space<vmem>>, vector<128x128xf32>
      %get3A_86 = arith.constant 0 : index
      %get3A_87 = arith.constant 0 : index
      %get3A_88 = vector.load %arg14[%get3A_86, %get3A_87] : memref<128x1xf32, #tpu.memory_space<vmem>>, vector<128x1xf32>
      %max3A_89 = arith.constant 1.000000e+00 : f32
      %max3A_90 = vector.broadcast %max3A_89 : f32 to vector<128x1xf32>
      %max3A_91 = arith.maximumf %get3A_88, %max3A_90 : vector<128x1xf32>
      %div3A_92 = vector.broadcast %max3A_91 : vector<128x1xf32> to vector<128x128xf32>
      %div3A_93 = arith.divf %get3A_85, %div3A_92 : vector<128x128xf32>
      %get3A_94 = arith.constant 0 : index
      %get3A_95 = arith.constant 0 : index
      %get3A_96 = vector.load %arg8[%get3A_94, %get3A_95] : memref<128x128xf32, #tpu.memory_space<vmem>>, vector<128x128xf32>
      %dot_general3A_97 = arith.constant dense<0.000000e+00> : vector<128x128xf32>
      %dot_general3A_98 = tpu.matmul %div3A_93, %get3A_96, %dot_general3A_97 {dimension_numbers = #tpu.dot_dimension_numbers<[1], [0], [0], [1], [0, 0, 1, 1], [], []>, transpose_lhs_hint = false} : vector<128x128xf32>, vector<128x128xf32>, vector<128x128xf32> -> vector<128x128xf32>
      %get3A_99 = arith.constant 0 : index
      %get3A_100 = arith.constant 0 : index
      %get3A_101 = vector.load %arg9[%get3A_99, %get3A_100] : memref<1x128xf32, #tpu.memory_space<vmem>>, vector<1x128xf32>
      %add3A_102 = vector.broadcast %get3A_101 : vector<1x128xf32> to vector<128x128xf32>
      %add3A_103 = arith.addf %dot_general3A_98, %add3A_102 : vector<128x128xf32>
      %max3A_104 = arith.constant 0.000000e+00 : f32
      %max3A_105 = vector.broadcast %max3A_104 : f32 to vector<128x128xf32>
      %max3A_106 = arith.maximumf %add3A_103, %max3A_105 : vector<128x128xf32>
      %get3A_107 = arith.constant 0 : index
      %get3A_108 = arith.constant 0 : index
      %get3A_109 = vector.load %arg10[%get3A_107, %get3A_108] : memref<128x128xf32, #tpu.memory_space<vmem>>, vector<128x128xf32>
      %dot_general3A_110 = arith.constant dense<0.000000e+00> : vector<128x128xf32>
      %dot_general3A_111 = tpu.matmul %max3A_106, %get3A_109, %dot_general3A_110 {dimension_numbers = #tpu.dot_dimension_numbers<[1], [0], [0], [1], [0, 0, 1, 1], [], []>, transpose_lhs_hint = false} : vector<128x128xf32>, vector<128x128xf32>, vector<128x128xf32> -> vector<128x128xf32>
      %get3A_112 = arith.constant 0 : index
      %get3A_113 = arith.constant 0 : index
      %get3A_114 = vector.load %arg11[%get3A_112, %get3A_113] : memref<1x128xf32, #tpu.memory_space<vmem>>, vector<1x128xf32>
      %add3A_115 = vector.broadcast %get3A_114 : vector<1x128xf32> to vector<128x128xf32>
      %add3A_116 = arith.addf %dot_general3A_111, %add3A_115 : vector<128x128xf32>
      %swap3A = arith.constant 0 : index
      %swap3A_117 = arith.constant 0 : index
      %swap3A_118 = vector.load %arg12[%swap3A, %swap3A_117] : memref<128x128xf32, #tpu.memory_space<vmem>>, vector<128x128xf32>
      tpu.vector_store %arg12[%swap3A, %swap3A_117], %add3A_116 {strides = array<i32>} : memref<128x128xf32, #tpu.memory_space<vmem>>, vector<128x128xf32>,
    } else {
    }
    return
  }
  func.func @transform_0(%arg0: i32) -> (i32, i32) {
    %c0_i32 = arith.constant 0 : i32
    %c0_i32_0 = arith.constant 0 : i32
    return %arg0, %c0_i32 : i32, i32
  }
  func.func @transform_1(%arg0: i32) -> (i32, i32, i32) {
    %c0_i32 = arith.constant 0 : i32
    %c0_i32_0 = arith.constant 0 : i32
    %c0_i32_1 = arith.constant 0 : i32
    return %c0_i32, %arg0, %c0_i32_0 : i32, i32, i32
  }
  func.func @transform_2(%arg0: i32) -> (i32, i32, i32) {
    %c0_i32 = arith.constant 0 : i32
    %c0_i32_0 = arith.constant 0 : i32
    %c0_i32_1 = arith.constant 0 : i32
    return %arg0, %c0_i32, %c0_i32_0 : i32, i32, i32
  }
  func.func @transform_3(%arg0: i32) -> (i32, i32) {
    %c0_i32 = arith.constant 0 : i32
    %c0_i32_0 = arith.constant 0 : i32
    return %arg0, %c0_i32 : i32, i32
  }
  func.func @transform_4(%arg0: i32) -> (i32, i32) {
    %c0_i32 = arith.constant 0 : i32
    %c0_i32_0 = arith.constant 0 : i32
    %c0_i32_1 = arith.constant 0 : i32
    return %c0_i32, %c0_i32_0 : i32, i32
  }
  func.func @transform_5(%arg0: i32) -> (i32, i32) {
    %c0_i32 = arith.constant 0 : i32
    %c0_i32_0 = arith.constant 0 : i32
    %c0_i32_1 = arith.constant 0 : i32
    return %c0_i32, %c0_i32_0 : i32, i32
  }
  func.func @transform_6(%arg0: i32) -> (i32, i32) {
    %c0_i32 = arith.constant 0 : i32
    %c0_i32_0 = arith.constant 0 : i32
    %c0_i32_1 = arith.constant 0 : i32
    return %c0_i32, %c0_i32_0 : i32, i32
  }
  func.func @transform_7(%arg0: i32) -> (i32, i32) {
    %c0_i32 = arith.constant 0 : i32
    %c0_i32_0 = arith.constant 0 : i32
    %c0_i32_1 = arith.constant 0 : i32
    return %c0_i32, %c0_i32_0 : i32, i32
  }
  func.func @transform_8(%arg0: i32) -> (i32, i32) {
    %c0_i32 = arith.constant 0 : i32
    %c0_i32_0 = arith.constant 0 : i32
    %c0_i32_1 = arith.constant 0 : i32
    return %c0_i32, %c0_i32_0 : i32, i32
  }
  func.func @transform_9(%arg0: i32) -> (i32, i32) {
    %c0_i32 = arith.constant 0 : i32
    %c0_i32_0 = arith.constant 0 : i32
    %c0_i32_1 = arith.constant 0 : i32
    return %c0_i32, %c0_i32_0 : i32, i32
  }
  func.func @transform_10(%arg0: i32) -> (i32, i32) {
    %c0_i32 = arith.constant 0 : i32
    %c0_i32_0 = arith.constant 0 : i32
    %c0_i32_1 = arith.constant 0 : i32
    return %c0_i32, %c0_i32_0 : i32, i32
  }
  func.func @transform_11(%arg0: i32) -> (i32, i32) {
    %c0_i32 = arith.constant 0 : i32
    %c0_i32_0 = arith.constant 0 : i32
    %c0_i32_1 = arith.constant 0 : i32
    return %c0_i32, %c0_i32_0 : i32, i32
  }
}

</mosaic_0001>

<sc_bundles>
// kernel: kernel.6.cloned.1.call-start
scs
__scs_entry_jumppad:
0x0: {  	(pc) =	sbr.rel $0x88, $3  }
0x1: {  	(tag) =	ssettag $0x0;
	lr =	simm.s32 $0x1  }
0x2: {  	[smem:$0x3F92] =	sst lr;
	_ =	strace $0xD0000000  }
0x3: {  	_ = 	snop  }
0x4: {  	_ = 	snop  }
0x5: {  	_ = 	snop  }
0x6: {  	_ = 	snop  }
0x7: {  	_ = 	snop  }
__scs_overlays_trampoline_lowered:
0x8: {  	[smem:$0x3FA1] =	sst s0  }
0x9: {  	[smem:$0x3FA2] =	sst s1  }
0xa: {  	[smem:$0x3FA3] =	sst s2  }
0xb: {  	[smem:$0x3FA4] =	sst s3  }
0xc: {  	[smem:$0x3FA5] =	sst s4  }
0xd: {  	[smem:$0x3FA6] =	sst s5  }
0xe: {  	[smem:$0x3FA7] =	sst s6  }
0xf: {  	[smem:$0x3FA8] =	sst s7  }
0x10: {  	[smem:$0x3FA9] =	sst s8  }
0x11: {  	[smem:$0x3FAA] =	sst s9;
	s0 =	simm.s32 @!p0 $0x0  }
0x12: {  	s1 =	sld [smem:$0x3F90];
	s0 =	simm.s32 @p0 $0x1  }
0x13: {  	[smem:$0x3FAB] =	sst s0;
	s0 =	simm.s32 @!p1 $0x0  }
0x14: {  	s2 =	sld [smem:$0x3F8F];
	s0 =	simm.s32 @p1 $0x1  }
0x15: {  	[smem:$0x3FAC] =	sst s0;
	s0 =	simm.s32 @!p2 $0x0  }
0x16: {  	s3 =	sld [smem:$0x3FDB];
	s0 =	simm.s32 @p2 $0x1  }
0x17: {  	s4 =	simm.s32 $0x1BF5;
	[smem:$0x3FAE] =	sst s0  }
0x18: {  	s0 =	sld [smem:$0x3F91];
	_ =	swait.ge [sflag:s4], $0x0  }
0x19: {  	s7 =	sld [smem:$0x3F92]  }
0x1a: {  	s8 =	sadd.s32 $0xFFFFE003, lr  }
0x1b: {  	s9 =	sadd.s32 $0xFFFFFEF7, lr;
	s5 =	simm.s32 $0xFFFFFFFF;
	p2 =	slt.u32 s8, $0xFFFFF086  }
0x1c: {  	p1 =	slt.u32 s9, $0xF7A;
	s5 =	simm.s32 @!p2 $0x0  }
0x1d: {  	s5 =	simm.s32 @p1 $0x1;
	p0 =	seq.s32 s7, s2  }
0x1e: {  	s7 =	smul.u32 @!p0 $0xF7A, s2;
	p2 =	seq.s32 @!p0 s5, $0x0  }
0x1f: {  	s9 =	smul.u32 $0xF7A, s1;
	s8 =	simm.s32 @!p0 $0x1BF5;
	p2 =	por !p2, p0  }
0x20: {  	[sflag:s8] =	ssyncset.s32 @!p0 $0xFFFFF086;
	s6 =	sadd.s32 @!p0 s3, s7;
	s7 =	simm.s32 @!p0 $0x108  }
0x21: {  	s3 =	sadd.s32 s3, s9;
	s6 =	sadd.s32 @!p0 $0x88, s6;
	s7 =	simm.s32 @p2 $0x1082  }
0x22: {  	[simem:s7], [sflag:s8] =	dma.local @!p0 [hbm:s6], $0xF7A  }
0x23: {  	s9 =	sor.u32 $0xD0000000, s2;
	s6 =	simm.s32 $0x108;
	_ =	swait.ge @!p0 [sflag:s8], $0x0  }
0x24: {  	s3 =	sadd.s32 $0x88, s3;
	s6 =	simm.s32 @!p1 $0x1082;
	[sflag:s4] =	ssyncset.s32 $0xFFFFF086  }
0x25: {  	[simem:s6], [sflag:s4] =	dma.local [hbm:s3], $0xF7A  }
0x26: {  	[smem:$0x3F92] =	sst s1;
	(tag) =	ssettag s2;
	_ =	strace s9  }
0x27: {  	s1 =	sld [smem:$0x3FA2]  }
0x28: {  	s2 =	sld [smem:$0x3FA3]  }
0x29: {  	s4 =	sld [smem:$0x3FA5]  }
0x2a: {  	p0 =	seq.s32 s5, $0x0;
	s5 =	sld [smem:$0x3FA6]  }
0x2b: {  	s6 =	sld [smem:$0x3FA7]  }
0x2c: {  	s7 =	sld [smem:$0x3FA8]  }
0x2d: {  	s3 =	simm.s32 $0x108;
	s8 =	sld [smem:$0x3FA9]  }
0x2e: {  	s3 =	simm.s32 @!p0 $0x1082;
	s9 =	sld [smem:$0x3FAA]  }
0x2f: {  	lr =	sadd.s32 s0, s3;
	s0 =	sld [smem:$0x3FA1]  }
0x30: {  	s3 =	sld [smem:$0x3FA4]  }
0x31: {  	[smem:$0x3FAD] =	sst s10  }
0x32: {  	s10 =	sld [smem:$0x3FAB];
	_ =	sdelay $0x3  }
0x33: {  	p0 =	seq.s32 s10, $0x1;
	s10 =	sld [smem:$0x3FAD];
	_ =	sdelay $0x3  }
0x34: {  	[smem:$0x3FAD] =	sst s10  }
0x35: {  	s10 =	sld [smem:$0x3FAC];
	_ =	sdelay $0x3  }
0x36: {  	p1 =	seq.s32 s10, $0x1;
	s10 =	sld [smem:$0x3FAD];
	_ =	sdelay $0x3  }
0x37: {  	[smem:$0x3FAD] =	sst s10  }
0x38: {  	s10 =	sld [smem:$0x3FAE]  }
0x39: {  	_ = 	snop;
	(pc) =	sbr.ind lr, $3  }
0x3a: {  	_ = 	snop  }
0x3b: {  	_ = 	snop  }
0x3c: {  	p2 =	seq.s32 s10, $0x1;
	s10 =	sld [smem:$0x3FAD]  }
0x3d: {  	_ =	shalt  }
0x3e: {  	_ =	shalt  }
0x3f: {  	_ =	shalt  }
0x40: {  	_ =	shalt  }
0x41: {  	_ =	shalt  }
0x42: {  	_ =	shalt  }
0x43: {  	_ =	shalt  }
0x44: {  	_ =	shalt  }
0x45: {  	_ =	shalt  }
0x46: {  	_ =	shalt  }
0x47: {  	_ =	shalt  }
0x48: {  	_ =	shalt  }
0x49: {  	_ =	shalt  }
0x4a: {  	_ =	shalt  }
0x4b: {  	_ =	shalt  }
0x4c: {  	_ =	shalt  }
0x4d: {  	_ =	shalt  }
0x4e: {  	_ =	shalt  }
0x4f: {  	_ =	shalt  }
0x50: {  	_ =	shalt  }
0x51: {  	_ =	shalt  }
0x52: {  	_ =	shalt  }
0x53: {  	_ =	shalt  }
0x54: {  	_ =	shalt  }
0x55: {  	_ =	shalt  }
0x56: {  	_ =	shalt  }
0x57: {  	_ =	shalt  }
0x58: {  	_ =	shalt  }
0x59: {  	_ =	shalt  }
0x5a: {  	_ =	shalt  }
0x5b: {  	_ =	shalt  }
0x5c: {  	_ =	shalt  }
0x5d: {  	_ =	shalt  }
0x5e: {  	_ =	shalt  }
0x5f: {  	_ =	shalt  }
0x60: {  	_ =	shalt  }
0x61: {  	_ =	shalt  }
0x62: {  	_ =	shalt  }
0x63: {  	_ =	shalt  }
0x64: {  	_ =	shalt  }
0x65: {  	_ =	shalt  }
0x66: {  	_ =	shalt  }
0x67: {  	_ =	shalt  }
0x68: {  	_ =	shalt  }
0x69: {  	_ =	shalt  }
0x6a: {  	_ =	shalt  }
0x6b: {  	_ =	shalt  }
0x6c: {  	_ =	shalt  }
0x6d: {  	_ =	shalt  }
0x6e: {  	_ =	shalt  }
0x6f: {  	_ =	shalt  }
0x70: {  	_ =	shalt  }
0x71: {  	_ =	shalt  }
0x72: {  	_ =	shalt  }
0x73: {  	_ =	shalt  }
0x74: {  	_ =	shalt  }
0x75: {  	_ =	shalt  }
0x76: {  	_ =	shalt  }
0x77: {  	_ =	shalt  }
0x78: {  	_ =	shalt  }
0x79: {  	_ =	shalt  }
0x7a: {  	_ =	shalt  }
0x7b: {  	_ =	shalt  }
0x7c: {  	_ =	shalt  }
0x7d: {  	_ =	shalt  }
0x7e: {  	_ =	shalt  }
0x7f: {  	_ =	shalt  }
0x80: {  	_ =	shalt  }
0x81: {  	_ =	shalt  }
0x82: {  	_ =	shalt  }
0x83: {  	_ =	shalt  }
0x84: {  	_ =	shalt  }
0x85: {  	_ =	shalt  }
0x86: {  	_ =	shalt  }
0x87: {  	_ =	shalt  }
.Lfunc_end0:
.L_simem_size_0:
called_computation_lowered:
.L_overlay_start_0:
0x88: {  	s2 =	sld [smem:$0x3FD9]  }
0x89: {  	s3 =	sld [smem:$0x3FFE];
	_ =	sdelay $0x1  }
0x8a: {  	s1 =	srdreg.scid  }
0x8b: {  	s0 =	sand.u32 $0x1, s1  }
0x8c: {  	s17 =	sshll.u32 s0, $0xA;
	s2 =	sadd.s32 s3, s2  }
0x8d: {  	s2 =	sadd.s32 s2, s17  }
0x8e: {  	[smem:$0x3FB9] =	sst s2  }
0x8f: {  	_ = 	snop  }
0x90: {  	s2 =	sld [smem:$0x3FC9];
	(tm) =	ssettm $0x1  }
0x91: {  	s18 =	sld [smem:$0x3FFB];
	_ =	sdelay $0x3  }
0x92: {  	_ =	strace s18  }
0x93: {  	s3 =	sld [smem:$0x3FFC];
	_ =	sdelay $0x3  }
0x94: {  	_ =	strace s3  }
0x95: {  	s3 =	sld [smem:$0x3FFD];
	_ =	sdelay $0x3  }
0x96: {  	_ =	strace s3  }
0x97: {  	_ =	strace $0x8FFFFFFF  }
0x98: {  	s19 =	sld [smem:$0x3FDB];
	_ =	sdelay $0x1  }
0x99: {  	s4 =	simm.s32 $_scs_section_size  }
0x9a: {  	s5 =	simm.s32 $_size__tile_overlayer_lowered;
	s6 =	simm.s32 $_tile_overlayer_lowered  }
0x9b: {  	s22 =	simm.s32 $0x1BFF;
	s21 =	sshll.u32 s6, $0x1;
	s3 =	sadd.s32 s4, s19  }
0x9c: {  	s7 =	simm.s32 $0x0;
	s20 =	sshll.u32 s5, $0x1;
	s5 =	sadd.s32 s21, s3  }
0x9d: {  	[timem:s7], [sflag:s22] =	dma.local [hbm:s5], s20  }
0x9e: {  	_ =	swait.ge [sflag:s22], s20  }
0x9f: {  	s4 =	ssub.s32 $0x0, s20;
	[sflag:s22] =	ssyncset.done $0x0  }
0xa0: {  	[sflag:s22] =	ssyncadd.s32 s4;
	_ =	sdelay $0x1  }
0xa1: {  	s23 =	simm.s32 $0x1B8B  }
0xa2: {  	_ =	swait.ge [sflag:s23], $0x1  }
0xa3: {  	[sflag:s23] =	ssyncset.done $0x0  }
0xa4: {  	s25 =	simm.s32 $0x1B8E;
	s24 =	sld [smem:$0x3FFE];
	[sflag:s23] =	ssyncadd.s32 $0xFFFFFFFF  }
0xa5: {  	s26 =	simm.s32 $execute0_lowered;
	[smem:$0x3FD2] =	sst s25  }
0xa6: {  	s5 =	sshll.u32 s26, $0x1;
	_ =	strace $0x80000046;
	[dreg:$0x1] =	wrdreg $0xFFFFFFFF  }
0xa7: {  	s28 =	simm.s32 $_size_execute0_lowered;
	s3 =	sadd.s32 s3, s5;
	[dreg:$0x0] =	wrdreg $0x0  }
0xa8: {  	s5 =	sshll.u32 s28, $0x1;
	[dreg:$0x2] =	wrdreg s3  }
0xa9: {  	[dreg:$0x3] =	wrdreg s5  }
0xaa: {  	[dreg:$0x4] =	wrdreg $0xC0  }
0xab: {  	_ =	task [dreg:s7], $0x5FFFF  }
0xac: {  	[dreg:$0x1] =	wrdreg $0xFFFFFFFF  }
0xad: {  	[dreg:$0x0] =	wrdreg $0x60  }
0xae: {  	[dreg:$0x2] =	wrdreg s2  }
0xaf: {  	[dreg:$0x3] =	wrdreg s24  }
0xb0: {  	[dreg:$0x4] =	wrdreg $0x78800  }
0xb1: {  	[dreg:$0x5] =	wrdreg $0x9  }
0xb2: {  	_ =	task.clear_ibuf [dreg:s7], $0x6FFFF;
	_ =	strace $0x90000046  }
0xb3: {  	s29 =	simm.s32 $0x9;
	_ =	strace $0x80000048  }
0xb4: {  	_ =	swait.ge [sflag:s29], $0x1  }
0xb5: {  	[sflag:s29] =	ssyncadd.s32 $0xFFFFFFFF  }
0xb6: {  	_ =	strace $0x90000048  }
0xb7: {  	_ =	sfence  }
0xb8: {  	s30 =	sld [smem:$0x0];
	_ =	sdelay $0x2  }
0xb9: {  	s31 =	sshll.u32 s1, $0xD;
	s1 =	sshrl.u32 s1, $0x2  }
0xba: {  	s3 =	sand.u32 $0x4000, s31;
	s1 =	sadd.s32 s1, s30  }
0xbb: {  	s0 =	sor.u32 s3, s0;
	s1 =	sshll.u32 s1, $0x11  }
0xbc: {  	s0 =	sor.u32 s1, s0  }
0xbd: {  	s0 =	sadd.s32 $0x8F2B, s0  }
0xbe: {  	[sflag:s0] =	ssyncadd.remote.s32 $0x1  }
0xbf: {  	_ =	sfence.sel $0xFFFF  }
0xc0: {  	[dreg:$0x0] =	wrdreg $0xFFFFFFFF;
	(pc) =	sbr.abs _section_cstart, $3  }
0xc1: {  	[dreg:$0x1] =	wrdreg $0xFFFFFFFF  }
0xc2: {  	_ =	task.clear_ibuf [dreg:s7], $0x2FFFF;
	_ =	strace $0x9FFFFFFF  }
0xc3: {  	(tm) =	ssettm $0x7FFFFFFF  }
tec
execute0_lowered:
.L_overlay_start_1:
0x0: {  	(tag) =	ssettag $0x1  }
0x1: {  	s1 =	rddreg [dreg:$0x0]  }
0x2: {  	s0 =	rddreg [dreg:$0x1]  }
0x3: {  	s2 =	srdreg.scid;
	s3 =	rddreg [dreg:$0x2]  }
0x4: {  	s10 =	stileid.u32;
	s6 =	simm.s32 $0x0;
	s28 =	simm.s32 $0x6  }
0x5: {  	s31 =	simm.s32 $0x0;
	s2 =	sand.u32 $0x1, s2;
	s12 =	smul.u32 $0x14000, s10  }
0x6: {  	[smem:$0x7FF] =	sst s6;
	s8 =	sshll.u32 s10, $0x7;
	s14 =	smul.u32 $0x50000, s10  }
0x7: {  	s9 =	sadd.s32 $0x2E00, s0;
	s22 =	smul.u32 $0x2710, s10;
	s4 =	sshll.u32 s2, $0x4  }
0x8: {  	s5 =	smul.u32 $0x140000, s2;
	_ =	strace $0x80000047;
	s13 =	sand.u32 $0x380, s8  }
0x9: {  	s17 =	ssub.s32 $0x2, s2;
	s2 =	smul.u32 $0x27100, s2;
	s4 =	sor.u32 s10, s4  }
0xa: {  	s18 =	sshrl.u32 s17, $0x1;
	s7 =	sshrl.u32 s4, $0x3;
	s5 =	sadd.s32 s12, s5  }
0xb: {  	s4 =	smul.u32 $0x2710, s4;
	s2 =	sadd.s32 s22, s2;
	s22 =	simm.s32 $0x2780  }
0xc: {  	s7 =	smul.u32 $0x13C00, s7;
	s5 =	sshrl.u32 s5, $0x3;
	s26 =	sadd.s32 $0x4E2A0, s2  }
0xd: {  	s2 =	sadd.s32 $0x4E250, s2;
	s15 =	sadd.s32 s5, s0;
	s4 =	sshrl.u32 s4, $0x3  }
0xe: {  	s6 =	sor.u32 s13, s7;
	s7 =	sshrl.u32 s14, $0x2;
	s13 =	sadd.s32 s9, s4  }
0xf: {  	s29 =	sshrl.u32 s26, $0x3;
	s5 =	sadd.s32 s7, s3;
	s4 =	sadd.s32 $0x9C40, s13  }
0x10: {  	s30 =	sshrl.u32 s2, $0x3;
	s7 =	sadd.s32 $0x2800, s5;
	[dreg:$0xb] =	wrdreg s4  }
0x11: {  	s26 =	simm.s32 $0x1;
	s19 =	sadd.s32 $0x5000, s5;
	[dreg:$0x4] =	wrdreg s7  }
0x12: {  	s15 =	sadd.s32 $0x20600, s15;
	s20 =	sadd.s32 $0x7800, s5;
	[dreg:$0x5] =	wrdreg s19  }
0x13: {  	s16 =	sshrl.u32 s6, $0x3;
	s21 =	sadd.s32 $0xA000, s5;
	[dreg:$0x6] =	wrdreg s20  }
0x14: {  	s6 =	ssub.s32 s17, s18;
	s23 =	sadd.s32 $0xC800, s5;
	[dreg:$0x7] =	wrdreg s21  }
0x15: {  	s18 =	sadd.s32 s29, s9;
	s24 =	sadd.s32 $0xF000, s5;
	[dreg:$0x8] =	wrdreg s23  }
0x16: {  	s0 =	sadd.s32 s16, s0;
	s25 =	sadd.s32 $0x11800, s5;
	[dreg:$0x9] =	wrdreg s24  }
0x17: {  	s17 =	smax.u32 s6, $0x1;
	[dreg:$0xa] =	wrdreg s25;
	s16 =	sadd.s32 $0x16800, s0  }
0x18: {  	s19 =	sadd.s32 s30, s9;
	s20 =	simm.s32 $0x2880;
	s21 =	simm.s32 $0x5  }
0x19: {  	v0 =	vimm.f32 $0.0e+00;
	v1 =	vimm.s32 $0x0;
	v2 =	vimm.s32 $0x4000;
	s23 =	simm.s32 $0x50;
	s24 =	simm.s32 $0x3;
	s25 =	simm.s32 $0x1B880  }
.LBB2_1:
0x1a: {  	s2 =	simm.s32 $0x0  }
0x1b: {  	s0 =	sand.u32 $0xFE00, s2  }
0x1c: {  	s2 =	sand.u32 $0x70, s2;
	s4 =	sshrl.u32 s0, $0x2  }
0x1d: {  	s0 =	simm.s32 $0x40;
	s4 =	sor.u32 s2, s4;
	s2 =	simm.s32 $0x0  }
.LBB2_2:
0x1e: {  	p0 =	sne.s32 s0, $0x9FC0  }
0x1f: {  	[tilespmem:s4+$0x2880] =	vst v0;
	s2 =	sadd.s32 $0x10, s2;
	s4 =	smov.u32 s0;
	s0 =	sadd.s32 $0x40, s0  }
.Ltmp0:
0x20: {  	(pc) =	sbr.rel @p0 .LBB2_2-.Ltmp0, $4  }
0x21: {  	_ = 	snop  }
0x22: {  	s4 =	sand.u32 $0xFE00, s4  }
0x23: {  	s6 =	sand.u32 $0x70, s2;
	s4 =	sshrl.u32 s4, $0x2  }
0x24: {  	s4 =	sor.u32 s6, s4  }
0x25: {  	[tilespmem:s4+$0x2880] =	vst v0  }
0x26: {  	[spmem:s5] =	stream.linear.scatter [tilespmem:s20], [sflag:$0x5], $0x2800, $0x38;
	[tilespmem:$0x1E000] =	vst v63  }
0x27: {  	_ =	swait.ge [sflag:s21], $0x2800  }
0x28: {  	[sflag:s21] =	ssyncset.done $0x0  }
0x29: {  	s0 =	rddreg [dreg:$0x4];
	[sflag:s21] =	ssyncadd.s32 $0xFFFFD800  }
0x2a: {  	[spmem:s0] =	stream.linear.scatter [tilespmem:s20], [sflag:$0x5], $0x2800, $0x38;
	[tilespmem:$0x1E000] =	vst v63  }
0x2b: {  	_ =	swait.ge [sflag:s21], $0x2800  }
0x2c: {  	[sflag:s21] =	ssyncset.done $0x0  }
0x2d: {  	s10 =	rddreg [dreg:$0x5];
	[sflag:s21] =	ssyncadd.s32 $0xFFFFD800  }
0x2e: {  	[spmem:s10] =	stream.linear.scatter [tilespmem:s20], [sflag:$0x5], $0x2800, $0x38;
	[tilespmem:$0x1E000] =	vst v63  }
0x2f: {  	_ =	swait.ge [sflag:s21], $0x2800  }
0x30: {  	[sflag:s21] =	ssyncset.done $0x0  }
0x31: {  	s11 =	rddreg [dreg:$0x6];
	[sflag:s21] =	ssyncadd.s32 $0xFFFFD800  }
0x32: {  	[spmem:s11] =	stream.linear.scatter [tilespmem:s20], [sflag:$0x5], $0x2800, $0x38;
	[tilespmem:$0x1E000] =	vst v63  }
0x33: {  	_ =	swait.ge [sflag:s21], $0x2800  }
0x34: {  	[sflag:s21] =	ssyncset.done $0x0  }
0x35: {  	s12 =	rddreg [dreg:$0x7];
	[sflag:s21] =	ssyncadd.s32 $0xFFFFD800  }
0x36: {  	[spmem:s12] =	stream.linear.scatter [tilespmem:s20], [sflag:$0x5], $0x2800, $0x38;
	[tilespmem:$0x1E000] =	vst v63  }
0x37: {  	_ =	swait.ge [sflag:s21], $0x2800  }
0x38: {  	[sflag:s21] =	ssyncset.done $0x0  }
0x39: {  	s14 =	rddreg [dreg:$0x8];
	[sflag:s21] =	ssyncadd.s32 $0xFFFFD800  }
0x3a: {  	[spmem:s14] =	stream.linear.scatter [tilespmem:s20], [sflag:$0x5], $0x2800, $0x38;
	[tilespmem:$0x1E000] =	vst v63  }
0x3b: {  	_ =	swait.ge [sflag:s21], $0x2800  }
0x3c: {  	[sflag:s21] =	ssyncset.done $0x0  }
0x3d: {  	s29 =	rddreg [dreg:$0x9];
	[sflag:s21] =	ssyncadd.s32 $0xFFFFD800  }
0x3e: {  	[spmem:s29] =	stream.linear.scatter [tilespmem:s20], [sflag:$0x5], $0x2800, $0x38;
	[tilespmem:$0x1E000] =	vst v63  }
0x3f: {  	_ =	swait.ge [sflag:s21], $0x2800  }
0x40: {  	[sflag:s21] =	ssyncset.done $0x0  }
0x41: {  	s30 =	rddreg [dreg:$0xa];
	[sflag:s21] =	ssyncadd.s32 $0xFFFFD800  }
0x42: {  	[spmem:s30] =	stream.linear.scatter [tilespmem:s20], [sflag:$0x5], $0x2800, $0x38;
	[tilespmem:$0x1E000] =	vst v63  }
0x43: {  	_ =	swait.ge [sflag:s21], $0x2800  }
0x44: {  	[sflag:s21] =	ssyncset.done $0x0  }
0x45: {  	s2 =	simm.s32 $0x0;
	s0 =	simm.s32 $0x40;
	[sflag:s21] =	ssyncadd.s32 $0xFFFFD800  }
.LBB2_4:
0x46: {  	p0 =	sne.s32 s0, $0x9C00;
	[tilespmem:s2+$0x1B880] =	vst v1;
	s2 =	smov.u32 s0;
	s0 =	sadd.s32 $0x40, s0  }
.Ltmp1:
0x47: {  	(pc) =	sbr.rel @p0 .LBB2_4-.Ltmp1, $2  }
0x48: {  	_ =	sdelay $0x2  }
0x49: {  	s2 =	sshra.s32 s2, $0x2  }
0x4a: {  	[tilespmem:s2+$0x1B880] =	vst v1  }
0x4b: {  	s0 =	simm.s32 $0x0;
	[bflag:$0x0] =	sbarrier.arrive $0xFFFF  }
0x4c: {  	[tilespmem:s0], [sflag:$0x5] =	stream.linear.gather [hbm4b:s13+s0], $0x2710, $0x38;
	[tilespmem:$0x1E000] =	vst v63  }
0x4d: {  	_ =	swait.ge [sflag:s21], $0x2710  }
0x4e: {  	[sflag:s21] =	ssyncset.done $0x0  }
0x4f: {  	s12 =	rddreg [dreg:$0xb];
	[sflag:s21] =	ssyncadd.s32 $0xFFFFD8F0  }
0x50: {  	[tilespmem:s22], [sflag:$0x3] =	stream.linear.gather [hbm4b:s12+s0], $0x50, $0x38;
	[tilespmem:$0x1E000] =	vst v63  }
0x51: {  	p1 =	por $0x0, $0x0  }
0x52: {  	[tilespmem:s20], [sflag:$0x1] =	stream.indirect.gather [hbm4b:s1+s23], $0x80, s0, s23, $0xb8;
	[tilespmem:$0x1E000] =	vst v63  }
0x53: {  	s2 =	simm.s32 @!p1 $0x0;
	s0 =	simm.s32 @!p1 $0x2800  }
0x54: {  	[tilespmem:s0], [sflag:$0x4] =	stream.linear.gather @!p1 [hbm4b:s19+s2], $0x50, $0x38;
	[tilespmem:$0x1E000] =	vst v63  }
0x55: {  	s4 =	simm.s32 @!p1 $0x5080;
	s7 =	simm.s32 @!p1 $0x50;
	s6 =	simm.s32 @!p1 $0x50  }
0x56: {  	[tilespmem:s4], [sflag:$0x2] =	stream.indirect.gather @!p1 [hbm4b:s1+s6], $0x80, s7, s6, $0xb8;
	[tilespmem:$0x1E000] =	vst v63  }
0x57: {  	_ =	swait.ge [sflag:s24], $0x50  }
0x58: {  	[sflag:s24] =	ssyncset.done $0x0  }
0x59: {  	[sflag:s24] =	ssyncadd.s32 $0xFFFFFFB0  }
0x5a: {  	s14 =	simm.s32 $0x0;
	v3 =	vld [tilespmem:$0x2780]  }
0x5b: {  	v4 =	vld [tilespmem:s14+$0x0];
	_ =	sdelay $0x4  }
0x5c: {  	vm0 =	veq.s32 v4, v3  }
0x5d: {  	v4 =	vsel vm0, $0x4001, v2  }
0x5e: {  	[tilespmem:v3+s25+$0x0] =	vst.idx.add.s32.msk $0xffff, v4  }
0x5f: {  	v3 =	vld [tilespmem:$0x2790]  }
0x60: {  	v4 =	vld [tilespmem:s14+$0x10];
	_ =	sdelay $0x4  }
0x61: {  	vm12 =	veq.s32 v4, v3  }
0x62: {  	v4 =	vsel vm12, $0x4001, v2  }
0x63: {  	[tilespmem:v3+s25+$0x0] =	vst.idx.add.s32.msk $0xffff, v4  }
0x64: {  	v3 =	vld [tilespmem:$0x27A0]  }
0x65: {  	v4 =	vld [tilespmem:s14+$0x20];
	_ =	sdelay $0x4  }
0x66: {  	vm13 =	veq.s32 v4, v3  }
0x67: {  	v4 =	vsel vm13, $0x4001, v2  }
0x68: {  	[tilespmem:v3+s25+$0x0] =	vst.idx.add.s32.msk $0xffff, v4  }
0x69: {  	v3 =	vld [tilespmem:$0x27B0]  }
0x6a: {  	v4 =	vld [tilespmem:s14+$0x30];
	_ =	sdelay $0x4  }
0x6b: {  	vm14 =	veq.s32 v4, v3  }
0x6c: {  	v4 =	vsel vm14, $0x4001, v2  }
0x6d: {  	[tilespmem:v3+s25+$0x0] =	vst.idx.add.s32.msk $0xffff, v4  }
0x6e: {  	v3 =	vld [tilespmem:$0x27C0]  }
0x6f: {  	v4 =	vld [tilespmem:s14+$0x40];
	_ =	sdelay $0x4  }
0x70: {  	vm15 =	veq.s32 v4, v3  }
0x71: {  	v4 =	vsel vm15, $0x4001, v2  }
0x72: {  	[tilespmem:v3+s25+$0x0] =	vst.idx.add.s32.msk $0xffff, v4  }
0x73: {  	_ =	swait.ge [sflag:s26], $0x2800  }
0x74: {  	[sflag:s26] =	ssyncset.done $0x0  }
0x75: {  	[sflag:s26] =	ssyncadd.s32 $0xFFFFD800  }
0x76: {  	[spmem:s3] =	stream.indirect.scatter.add.f32 [tilespmem:s20], [sflag:$0x6], $0x80, s22, s23, $0xb8;
	[tilespmem:$0x1E000] =	vst v63  }
0x77: {  	_ =	swait.ge [sflag:s28], $0x2800  }
0x78: {  	p0 =	por p1, p1;
	[sflag:s28] =	ssyncset.done $0x0  }
0x79: {  	s7 =	simm.s32 @!p0 $0x2780;
	[sflag:s28] =	ssyncadd.s32 $0xFFFFD800  }
0x7a: {  	[tilespmem:s7], [sflag:$0x3] =	stream.linear.gather @!p0 [hbm4b:s18+s2], $0x50, $0x38;
	[tilespmem:$0x1E000] =	vst v63  }
0x7b: {  	s8 =	simm.s32 @!p0 $0x4;
	s2 =	simm.s32 @!p1 $0xA0;
	s7 =	simm.s32 @!p0 $0x2880  }
0x7c: {  	[tilespmem:s7], [sflag:$0x1] =	stream.indirect.gather @!p0 [hbm4b:s1+s6], $0x80, s2, s6, $0xb8;
	[tilespmem:$0x1E000] =	vst v63  }
0x7d: {  	_ =	swait.ge @!p0 [sflag:s8], $0x50  }
0x7e: {  	[sflag:s8] =	ssyncset.done @!p0 $0x0  }
0x7f: {  	[sflag:s8] =	ssyncadd.s32 @!p0 $0xFFFFFFB0  }
0x80: {  	s2 =	simm.s32 @!p1 $0x0;
	v3 =	vld @!p0 [tilespmem:$0x2800]  }
0x81: {  	v4 =	vld @!p0 [tilespmem:s2+$0x50];
	_ =	sdelay $0x4  }
0x82: {  	vm0 =	veq.s32 @!p0 v4, v3;
	v4 =	vimm.s32 @!p0 $0x4000  }
0x83: {  	s7 =	simm.s32 @!p0 $0x1B880;
	v5 =	vsel @!p0 vm0, $0x4001, v4  }
0x84: {  	[tilespmem:v3+s7+$0x0] =	vst.idx.add.s32.msk @!p0 $0xffff, v5  }
0x85: {  	v3 =	vld @!p0 [tilespmem:$0x2810]  }
0x86: {  	v5 =	vld @!p0 [tilespmem:s2+$0x60];
	_ =	sdelay $0x4  }
0x87: {  	vm0 =	veq.s32 @!p0 v5, v3  }
0x88: {  	v5 =	vsel @!p0 vm0, $0x4001, v4  }
0x89: {  	[tilespmem:v3+s7+$0x0] =	vst.idx.add.s32.msk @!p0 $0xffff, v5  }
0x8a: {  	v3 =	vld @!p0 [tilespmem:$0x2820]  }
0x8b: {  	v5 =	vld @!p0 [tilespmem:s2+$0x70];
	_ =	sdelay $0x4  }
0x8c: {  	vm0 =	veq.s32 @!p0 v5, v3  }
0x8d: {  	v5 =	vsel @!p0 vm0, $0x4001, v4  }
0x8e: {  	[tilespmem:v3+s7+$0x0] =	vst.idx.add.s32.msk @!p0 $0xffff, v5  }
0x8f: {  	v3 =	vld @!p0 [tilespmem:$0x2830]  }
0x90: {  	v5 =	vld @!p0 [tilespmem:s2+$0x80];
	_ =	sdelay $0x4  }
0x91: {  	vm0 =	veq.s32 @!p0 v5, v3  }
0x92: {  	v5 =	vsel @!p0 vm0, $0x4001, v4  }
0x93: {  	[tilespmem:v3+s7+$0x0] =	vst.idx.add.s32.msk @!p0 $0xffff, v5  }
0x94: {  	v3 =	vld @!p0 [tilespmem:$0x2840]  }
0x95: {  	v5 =	vld @!p0 [tilespmem:s2+$0x90];
	_ =	sdelay $0x4  }
0x96: {  	vm0 =	veq.s32 @!p0 v5, v3  }
0x97: {  	v4 =	vsel @!p0 vm0, $0x4001, v4  }
0x98: {  	s8 =	simm.s32 @!p0 $0x2;
	[tilespmem:v3+s7+$0x0] =	vst.idx.add.s32.msk @!p0 $0xffff, v4  }
0x99: {  	s29 =	simm.s32 $0x280;
	_ =	swait.ge @!p0 [sflag:s8], $0x2800  }
0x9a: {  	s30 =	sadd.s32 $0x14, s19;
	p2 =	por $0x0, $0x0;
	[sflag:s8] =	ssyncset.done @!p0 $0x0  }
0x9b: {  	s11 =	simm.s32 @!p0 $0x5;
	s2 =	simm.s32 $0x500;
	[sflag:s8] =	ssyncadd.s32 @!p0 $0xFFFFD800  }
0x9c: {  	[spmem:s3] =	stream.indirect.scatter.add.f32 @!p0 [tilespmem:s4], [sflag:$0x5], $0x80, s0, s6, $0xb8;
	[tilespmem:$0x1E000] =	vst v63  }
0x9d: {  	s4 =	simm.s32 $0x3;
	s0 =	sadd.s32 $0x14, s18;
	_ =	swait.ge @!p0 [sflag:s11], $0x2800  }
.LBB2_6:
0x9e: {  	s10 =	simm.s32 @!p2 $0x0;
	s6 =	simm.s32 @!p2 $0x2800;
	[sflag:s11] =	ssyncset.done @!p0 $0x0  }
0x9f: {  	s9 =	sshra.s32 @!p2 s29, $0x2;
	s7 =	simm.s32 @!p2 $0x5080;
	[sflag:s11] =	ssyncadd.s32 @!p0 $0xFFFFD800  }
0xa0: {  	[tilespmem:s6], [sflag:$0x4] =	stream.linear.gather @!p2 [hbm4b:s30+s10], $0x50, $0x38;
	[tilespmem:$0x1E000] =	vst v63  }
0xa1: {  	s8 =	simm.s32 @!p2 $0x50;
	s12 =	sadd.s32 @!p2 $0x50, s9;
	s11 =	sadd.s32 @!p2 $0xA0, s9  }
0xa2: {  	[tilespmem:s7], [sflag:$0x2] =	stream.indirect.gather @!p2 [hbm4b:s1+s8], $0x80, s12, s8, $0xb8;
	[tilespmem:$0x1E000] =	vst v63  }
0xa3: {  	s12 =	smov.u32 s2;
	s2 =	sadd.s32 $0x280, s2;
	_ =	swait.ge [sflag:s24], $0x50  }
0xa4: {  	p0 =	por p2, p2;
	p1 =	sne.s32 s2, $0x9D80;
	[sflag:s24] =	ssyncset.done $0x0  }
0xa5: {  	[sflag:s24] =	ssyncadd.s32 $0xFFFFFFB0  }
0xa6: {  	s14 =	sshra.s32 s29, $0x2;
	s29 =	smov.u32 s12;
	v3 =	vld [tilespmem:$0x2780]  }
0xa7: {  	v4 =	vld [tilespmem:s14+$0x0];
	_ =	sdelay $0x4  }
0xa8: {  	vm0 =	veq.s32 v4, v3  }
0xa9: {  	v4 =	vsel vm0, $0x4001, v2  }
0xaa: {  	[tilespmem:v3+s25+$0x0] =	vst.idx.add.s32.msk $0xffff, v4  }
0xab: {  	v3 =	vld [tilespmem:$0x2790]  }
0xac: {  	v4 =	vld [tilespmem:s14+$0x10];
	_ =	sdelay $0x4  }
0xad: {  	vm0 =	veq.s32 v4, v3  }
0xae: {  	v4 =	vsel vm0, $0x4001, v2  }
0xaf: {  	[tilespmem:v3+s25+$0x0] =	vst.idx.add.s32.msk $0xffff, v4  }
0xb0: {  	v3 =	vld [tilespmem:$0x27A0]  }
0xb1: {  	v4 =	vld [tilespmem:s14+$0x20];
	_ =	sdelay $0x4  }
0xb2: {  	vm0 =	veq.s32 v4, v3  }
0xb3: {  	v4 =	vsel vm0, $0x4001, v2  }
0xb4: {  	[tilespmem:v3+s25+$0x0] =	vst.idx.add.s32.msk $0xffff, v4  }
0xb5: {  	v3 =	vld [tilespmem:$0x27B0]  }
0xb6: {  	v4 =	vld [tilespmem:s14+$0x30];
	_ =	sdelay $0x4  }
0xb7: {  	vm0 =	veq.s32 v4, v3  }
0xb8: {  	v4 =	vsel vm0, $0x4001, v2  }
0xb9: {  	[tilespmem:v3+s25+$0x0] =	vst.idx.add.s32.msk $0xffff, v4  }
0xba: {  	v3 =	vld [tilespmem:$0x27C0]  }
0xbb: {  	v4 =	vld [tilespmem:s14+$0x40];
	_ =	sdelay $0x4  }
0xbc: {  	vm0 =	veq.s32 v4, v3  }
0xbd: {  	v4 =	vsel vm0, $0x4001, v2  }
0xbe: {  	[tilespmem:v3+s25+$0x0] =	vst.idx.add.s32.msk $0xffff, v4  }
0xbf: {  	_ =	swait.ge [sflag:s26], $0x2800  }
0xc0: {  	[sflag:s26] =	ssyncset.done $0x0  }
0xc1: {  	[sflag:s26] =	ssyncadd.s32 $0xFFFFD800  }
0xc2: {  	[spmem:s3] =	stream.indirect.scatter.add.f32 [tilespmem:s20], [sflag:$0x6], $0x80, s22, s23, $0xb8;
	[tilespmem:$0x1E000] =	vst v63  }
0xc3: {  	_ =	swait.ge [sflag:s28], $0x2800  }
0xc4: {  	[sflag:s28] =	ssyncset.done $0x0  }
0xc5: {  	s12 =	simm.s32 @!p0 $0x2780;
	[sflag:s28] =	ssyncadd.s32 $0xFFFFD800  }
0xc6: {  	[tilespmem:s12], [sflag:$0x3] =	stream.linear.gather @!p0 [hbm4b:s0+s10], $0x50, $0x38;
	[tilespmem:$0x1E000] =	vst v63  }
0xc7: {  	s10 =	simm.s32 @!p0 $0x2880;
	s12 =	simm.s32 @!p0 $0x4  }
0xc8: {  	[tilespmem:s10], [sflag:$0x1] =	stream.indirect.gather @!p0 [hbm4b:s1+s8], $0x80, s11, s8, $0xb8;
	[tilespmem:$0x1E000] =	vst v63  }
0xc9: {  	_ =	swait.ge @!p0 [sflag:s12], $0x50  }
0xca: {  	[sflag:s12] =	ssyncset.done @!p0 $0x0  }
0xcb: {  	[sflag:s12] =	ssyncadd.s32 @!p0 $0xFFFFFFB0  }
0xcc: {  	v3 =	vld @!p0 [tilespmem:$0x2800]  }
0xcd: {  	v4 =	vld @!p0 [tilespmem:s9+$0x50];
	_ =	sdelay $0x4  }
0xce: {  	vm0 =	veq.s32 @!p0 v4, v3;
	v4 =	vimm.s32 @!p0 $0x4000  }
0xcf: {  	s10 =	simm.s32 @!p0 $0x1B880;
	v5 =	vsel @!p0 vm0, $0x4001, v4  }
0xd0: {  	[tilespmem:v3+s10+$0x0] =	vst.idx.add.s32.msk @!p0 $0xffff, v5  }
0xd1: {  	v3 =	vld @!p0 [tilespmem:$0x2810]  }
0xd2: {  	v5 =	vld @!p0 [tilespmem:s9+$0x60];
	_ =	sdelay $0x4  }
0xd3: {  	vm0 =	veq.s32 @!p0 v5, v3  }
0xd4: {  	v5 =	vsel @!p0 vm0, $0x4001, v4  }
0xd5: {  	[tilespmem:v3+s10+$0x0] =	vst.idx.add.s32.msk @!p0 $0xffff, v5  }
0xd6: {  	v3 =	vld @!p0 [tilespmem:$0x2820]  }
0xd7: {  	v5 =	vld @!p0 [tilespmem:s9+$0x70];
	_ =	sdelay $0x4  }
0xd8: {  	vm0 =	veq.s32 @!p0 v5, v3  }
0xd9: {  	v5 =	vsel @!p0 vm0, $0x4001, v4  }
0xda: {  	[tilespmem:v3+s10+$0x0] =	vst.idx.add.s32.msk @!p0 $0xffff, v5  }
0xdb: {  	v3 =	vld @!p0 [tilespmem:$0x2830]  }
0xdc: {  	v5 =	vld @!p0 [tilespmem:s9+$0x80];
	_ =	sdelay $0x4  }
0xdd: {  	vm0 =	veq.s32 @!p0 v5, v3  }
0xde: {  	v5 =	vsel @!p0 vm0, $0x4001, v4  }
0xdf: {  	[tilespmem:v3+s10+$0x0] =	vst.idx.add.s32.msk @!p0 $0xffff, v5  }
0xe0: {  	v3 =	vld @!p0 [tilespmem:$0x2840]  }
0xe1: {  	v5 =	vld @!p0 [tilespmem:s9+$0x90];
	_ =	sdelay $0x4  }
0xe2: {  	vm0 =	veq.s32 @!p0 v5, v3  }
0xe3: {  	s9 =	simm.s32 @!p0 $0x2;
	v4 =	vsel @!p0 vm0, $0x4001, v4  }
0xe4: {  	[tilespmem:v3+s10+$0x0] =	vst.idx.add.s32.msk @!p0 $0xffff, v4  }
.Ltmp2:
0xe5: {  	_ =	swait.ge @!p0 [sflag:s9], $0x2800;
	(pc) =	sbr.rel @p1 .LBB2_6-.Ltmp2, $4  }
0xe6: {  	s30 =	sadd.s32 $0x14, s30;
	[sflag:s9] =	ssyncset.done @!p0 $0x0  }
0xe7: {  	s4 =	sadd.s32 $0x2, s4;
	s11 =	simm.s32 @!p0 $0x5;
	[sflag:s9] =	ssyncadd.s32 @!p0 $0xFFFFD800  }
0xe8: {  	[spmem:s3] =	stream.indirect.scatter.add.f32 @!p0 [tilespmem:s7], [sflag:$0x5], $0x80, s6, s8, $0xb8;
	[tilespmem:$0x1E000] =	vst v63  }
0xe9: {  	p2 =	sgt.u32 s4, $0x7C;
	s0 =	sadd.s32 $0x14, s0;
	_ =	swait.ge @!p0 [sflag:s11], $0x2800  }
0xea: {  	s8 =	simm.s32 @!p2 $0x0;
	[sflag:s11] =	ssyncset.done @!p0 $0x0  }
0xeb: {  	s2 =	simm.s32 @!p2 $0x2800;
	s7 =	sshra.s32 @!p2 s29, $0x2;
	[sflag:s11] =	ssyncadd.s32 @!p0 $0xFFFFD800  }
0xec: {  	[tilespmem:s2], [sflag:$0x4] =	stream.linear.gather @!p2 [hbm4b:s30+s8], $0x50, $0x38;
	[tilespmem:$0x1E000] =	vst v63  }
0xed: {  	s4 =	simm.s32 @!p2 $0x5080;
	s6 =	simm.s32 @!p2 $0x50;
	s9 =	sadd.s32 @!p2 $0x50, s7  }
0xee: {  	[tilespmem:s4], [sflag:$0x2] =	stream.indirect.gather @!p2 [hbm4b:s1+s6], $0x80, s9, s6, $0xb8;
	[tilespmem:$0x1E000] =	vst v63  }
0xef: {  	_ =	swait.ge [sflag:s24], $0x50  }
0xf0: {  	[sflag:s24] =	ssyncset.done $0x0  }
0xf1: {  	[sflag:s24] =	ssyncadd.s32 $0xFFFFFFB0  }
0xf2: {  	s11 =	sshra.s32 s29, $0x2;
	v3 =	vld [tilespmem:$0x2780]  }
0xf3: {  	v4 =	vld [tilespmem:s11+$0x0];
	_ =	sdelay $0x4  }
0xf4: {  	vm0 =	veq.s32 v4, v3  }
0xf5: {  	v4 =	vsel vm0, $0x4001, v2  }
0xf6: {  	[tilespmem:v3+s25+$0x0] =	vst.idx.add.s32.msk $0xffff, v4  }
0xf7: {  	v3 =	vld [tilespmem:$0x2790]  }
0xf8: {  	v4 =	vld [tilespmem:s11+$0x10];
	_ =	sdelay $0x4  }
0xf9: {  	vm12 =	veq.s32 v4, v3  }
0xfa: {  	v4 =	vsel vm12, $0x4001, v2  }
0xfb: {  	[tilespmem:v3+s25+$0x0] =	vst.idx.add.s32.msk $0xffff, v4  }
0xfc: {  	v3 =	vld [tilespmem:$0x27A0]  }
0xfd: {  	v4 =	vld [tilespmem:s11+$0x20];
	_ =	sdelay $0x4  }
0xfe: {  	vm13 =	veq.s32 v4, v3  }
0xff: {  	v4 =	vsel vm13, $0x4001, v2  }
0x100: {  	[tilespmem:v3+s25+$0x0] =	vst.idx.add.s32.msk $0xffff, v4  }
0x101: {  	v3 =	vld [tilespmem:$0x27B0]  }
0x102: {  	v4 =	vld [tilespmem:s11+$0x30];
	_ =	sdelay $0x4  }
0x103: {  	vm14 =	veq.s32 v4, v3  }
0x104: {  	v4 =	vsel vm14, $0x4001, v2  }
0x105: {  	[tilespmem:v3+s25+$0x0] =	vst.idx.add.s32.msk $0xffff, v4  }
0x106: {  	v3 =	vld [tilespmem:$0x27C0]  }
0x107: {  	v4 =	vld [tilespmem:s11+$0x40];
	_ =	sdelay $0x4  }
0x108: {  	vm15 =	veq.s32 v4, v3  }
0x109: {  	v4 =	vsel vm15, $0x4001, v2  }
0x10a: {  	[tilespmem:v3+s25+$0x0] =	vst.idx.add.s32.msk $0xffff, v4  }
0x10b: {  	_ =	swait.ge [sflag:s26], $0x2800  }
0x10c: {  	[sflag:s26] =	ssyncset.done $0x0  }
0x10d: {  	[sflag:s26] =	ssyncadd.s32 $0xFFFFD800  }
0x10e: {  	[spmem:s3] =	stream.indirect.scatter.add.f32 [tilespmem:s20], [sflag:$0x6], $0x80, s22, s23, $0xb8;
	[tilespmem:$0x1E000] =	vst v63  }
0x10f: {  	_ =	swait.ge [sflag:s28], $0x2800  }
0x110: {  	p0 =	por p2, p2;
	[sflag:s28] =	ssyncset.done $0x0  }
0x111: {  	s9 =	simm.s32 @!p0 $0x2780;
	[sflag:s28] =	ssyncadd.s32 $0xFFFFD800  }
0x112: {  	[tilespmem:s9], [sflag:$0x3] =	stream.linear.gather @!p0 [hbm4b:s0+s8], $0x50, $0x38;
	[tilespmem:$0x1E000] =	vst v63  }
0x113: {  	s0 =	sadd.s32 @!p2 $0xA0, s7;
	s8 =	simm.s32 @!p0 $0x2880  }
0x114: {  	[tilespmem:s8], [sflag:$0x1] =	stream.indirect.gather @!p0 [hbm4b:s1+s6], $0x80, s0, s6, $0xb8;
	[tilespmem:$0x1E000] =	vst v63  }
0x115: {  	s0 =	simm.s32 @!p0 $0x4  }
0x116: {  	_ =	swait.ge @!p0 [sflag:s0], $0x50  }
0x117: {  	[sflag:s0] =	ssyncset.done @!p0 $0x0  }
0x118: {  	[sflag:s0] =	ssyncadd.s32 @!p0 $0xFFFFFFB0  }
0x119: {  	v3 =	vld @!p0 [tilespmem:$0x2800]  }
0x11a: {  	v4 =	vld @!p0 [tilespmem:s7+$0x50];
	_ =	sdelay $0x4  }
0x11b: {  	vm0 =	veq.s32 @!p0 v4, v3;
	v4 =	vimm.s32 @!p0 $0x4000  }
0x11c: {  	s0 =	simm.s32 @!p0 $0x1B880;
	v5 =	vsel @!p0 vm0, $0x4001, v4  }
0x11d: {  	[tilespmem:v3+s0+$0x0] =	vst.idx.add.s32.msk @!p0 $0xffff, v5  }
0x11e: {  	v3 =	vld @!p0 [tilespmem:$0x2810]  }
0x11f: {  	v5 =	vld @!p0 [tilespmem:s7+$0x60];
	_ =	sdelay $0x4  }
0x120: {  	vm0 =	veq.s32 @!p0 v5, v3  }
0x121: {  	v5 =	vsel @!p0 vm0, $0x4001, v4  }
0x122: {  	[tilespmem:v3+s0+$0x0] =	vst.idx.add.s32.msk @!p0 $0xffff, v5  }
0x123: {  	v3 =	vld @!p0 [tilespmem:$0x2820]  }
0x124: {  	v5 =	vld @!p0 [tilespmem:s7+$0x70];
	_ =	sdelay $0x4  }
0x125: {  	vm0 =	veq.s32 @!p0 v5, v3  }
0x126: {  	v5 =	vsel @!p0 vm0, $0x4001, v4  }
0x127: {  	[tilespmem:v3+s0+$0x0] =	vst.idx.add.s32.msk @!p0 $0xffff, v5  }
0x128: {  	v3 =	vld @!p0 [tilespmem:$0x2830]  }
0x129: {  	v5 =	vld @!p0 [tilespmem:s7+$0x80];
	_ =	sdelay $0x4  }
0x12a: {  	vm0 =	veq.s32 @!p0 v5, v3  }
0x12b: {  	v5 =	vsel @!p0 vm0, $0x4001, v4  }
0x12c: {  	[tilespmem:v3+s0+$0x0] =	vst.idx.add.s32.msk @!p0 $0xffff, v5  }
0x12d: {  	v3 =	vld @!p0 [tilespmem:$0x2840]  }
0x12e: {  	v5 =	vld @!p0 [tilespmem:s7+$0x90];
	_ =	sdelay $0x4  }
0x12f: {  	vm0 =	veq.s32 @!p0 v5, v3  }
0x130: {  	v4 =	vsel @!p0 vm0, $0x4001, v4  }
0x131: {  	[tilespmem:v3+s0+$0x0] =	vst.idx.add.s32.msk @!p0 $0xffff, v4;
	s0 =	simm.s32 @!p0 $0x2  }
0x132: {  	_ =	swait.ge @!p0 [sflag:s0], $0x2800  }
0x133: {  	[sflag:s0] =	ssyncset.done @!p0 $0x0  }
0x134: {  	[sflag:s0] =	ssyncadd.s32 @!p0 $0xFFFFD800;
	s0 =	simm.s32 @!p0 $0x5  }
0x135: {  	[spmem:s3] =	stream.indirect.scatter.add.f32 @!p0 [tilespmem:s4], [sflag:$0x5], $0x80, s2, s6, $0xb8;
	[tilespmem:$0x1E000] =	vst v63  }
0x136: {  	_ =	swait.ge @!p0 [sflag:s0], $0x2800  }
0x137: {  	s12 =	stileid.u32;
	[sflag:s0] =	ssyncset.done @!p0 $0x0  }
0x138: {  	[sflag:s0] =	ssyncadd.s32 @!p0 $0xFFFFD800;
	s0 =	sshll.u32 s12, $0x6  }
0x139: {  	s14 =	sshrl.u32 s5, $0x3;
	[bflag:$0x0] =	sbarrier.arrive $0xFFFF;
	s0 =	sor.u32 $0x1C05, s0  }
0x13a: {  	[hbm:s15], [sflag:s0] =	dma.local [spmem:s14], $0x2800  }
0x13b: {  	s31 =	sadd.s32 $0x1, s31;
	_ =	swait.ge [sflag:s21], $0x2800  }
0x13c: {  	s29 =	simm.s32 $0x80;
	p0 =	sne.s32 s31, s17;
	[sflag:s21] =	ssyncset.done $0x0  }
.Ltmp3:
0x13d: {  	s30 =	simm.s32 $0x400;
	[sflag:s21] =	ssyncadd.s32 $0xFFFFD800;
	(pc) =	sbr.rel @p0 .LBB2_1-.Ltmp3, $4  }
0x13e: {  	[hbm4b:s16+s29] =	stream.strided.scatter [tilespmem:s25], [sflag:$0x5], $0x2780, s30, s29, $0x38;
	[tilespmem:$0x1E000] =	vst v63  }
0x13f: {  	_ =	swait.ge [sflag:s21], $0x2780  }
0x140: {  	[sflag:s21] =	ssyncset.done $0x0  }
0x141: {  	[sflag:s21] =	ssyncadd.s32 $0xFFFFD880  }
0x142: {  	_ =	sfence.sel $0x180000  }
0x143: {  	[bflag:$0x0] =	sbarrier.arrive $0xFFFF  }
0x144: {  	_ =	strace $0x90000047  }
0x145: {  	s0 =	stileid.u32;
	[bflag:$0x2] =	sbarrier.arrive $0xFFFF  }
0x146: {  	p0 =	sne.s32 s0, $0x0;
	s0 =	rddreg [dreg:$0x3]  }
0x147: {  	s0 =	sadd.s32 @!p0 $0x100000, s0  }
0x148: {  	[sflag:s0] =	ssyncadd.tile.s32 @!p0 $0x1;
	_ =	shalt  }
.Lfunc_end2:
_tile_overlayer_lowered:
.L_overlay_start_2:
0x149: {  	(tag) =	ssettag $0x2  }
0x14a: {  	s0 =	rddreg [dreg:$0x0];
	s2 =	stileid.u32  }
0x14b: {  	s1 =	rddreg [dreg:$0x1];
	p0 =	sne.s32 s2, $0x0  }
0x14c: {  	s3 =	rddreg [dreg:$0x2];
	[bflag:$0x3] =	sbarrier.arrive $0xFFFF;
	s2 =	simm.s32 @!p0 $0x1C05  }
0x14d: {  	[timem:s3], [sflag:s2] =	dma.local @!p0 [hbm:s0], s1  }
0x14e: {  	s0 =	simm.s32 @!p0 $0x5  }
0x14f: {  	_ =	swait.ge @!p0 [sflag:s0], s1  }
0x150: {  	s1 =	ssub.s32 @!p0 $0x0, s1;
	[sflag:s0] =	ssyncset.done @!p0 $0x0  }
0x151: {  	[sflag:s0] =	ssyncadd.s32 @!p0 s1  }
0x152: {  	[bflag:$0x3] =	sbarrier.arrive $0xFFFF  }
0x153: {  	_ =	shalt  }

// kernel: kernel.9.cloned.1.call-start
scs
__scs_entry_jumppad:
0x0: {  	(pc) =	sbr.rel $0x88, $3  }
0x1: {  	(tag) =	ssettag $0x0;
	lr =	simm.s32 $0x1  }
0x2: {  	[smem:$0x3F92] =	sst lr;
	_ =	strace $0xD0000000  }
0x3: {  	_ = 	snop  }
0x4: {  	_ = 	snop  }
0x5: {  	_ = 	snop  }
0x6: {  	_ = 	snop  }
0x7: {  	_ = 	snop  }
__scs_overlays_trampoline_lowered:
0x8: {  	[smem:$0x3FA1] =	sst s0  }
0x9: {  	[smem:$0x3FA2] =	sst s1  }
0xa: {  	[smem:$0x3FA3] =	sst s2  }
0xb: {  	[smem:$0x3FA4] =	sst s3  }
0xc: {  	[smem:$0x3FA5] =	sst s4  }
0xd: {  	[smem:$0x3FA6] =	sst s5  }
0xe: {  	[smem:$0x3FA7] =	sst s6  }
0xf: {  	[smem:$0x3FA8] =	sst s7  }
0x10: {  	[smem:$0x3FA9] =	sst s8  }
0x11: {  	[smem:$0x3FAA] =	sst s9;
	s0 =	simm.s32 @!p0 $0x0  }
0x12: {  	s1 =	sld [smem:$0x3F90];
	s0 =	simm.s32 @p0 $0x1  }
0x13: {  	[smem:$0x3FAB] =	sst s0;
	s0 =	simm.s32 @!p1 $0x0  }
0x14: {  	s2 =	sld [smem:$0x3F8F];
	s0 =	simm.s32 @p1 $0x1  }
0x15: {  	[smem:$0x3FAC] =	sst s0;
	s0 =	simm.s32 @!p2 $0x0  }
0x16: {  	s3 =	sld [smem:$0x3FDB];
	s0 =	simm.s32 @p2 $0x1  }
0x17: {  	s4 =	simm.s32 $0x1BF5;
	[smem:$0x3FAE] =	sst s0  }
0x18: {  	s0 =	sld [smem:$0x3F91];
	_ =	swait.ge [sflag:s4], $0x0  }
0x19: {  	s7 =	sld [smem:$0x3F92]  }
0x1a: {  	s8 =	sadd.s32 $0xFFFFE003, lr  }
0x1b: {  	s9 =	sadd.s32 $0xFFFFFEF7, lr;
	s5 =	simm.s32 $0xFFFFFFFF;
	p2 =	slt.u32 s8, $0xFFFFF086  }
0x1c: {  	p1 =	slt.u32 s9, $0xF7A;
	s5 =	simm.s32 @!p2 $0x0  }
0x1d: {  	s5 =	simm.s32 @p1 $0x1;
	p0 =	seq.s32 s7, s2  }
0x1e: {  	s7 =	smul.u32 @!p0 $0xF7A, s2;
	p2 =	seq.s32 @!p0 s5, $0x0  }
0x1f: {  	s9 =	smul.u32 $0xF7A, s1;
	s8 =	simm.s32 @!p0 $0x1BF5;
	p2 =	por !p2, p0  }
0x20: {  	[sflag:s8] =	ssyncset.s32 @!p0 $0xFFFFF086;
	s6 =	sadd.s32 @!p0 s3, s7;
	s7 =	simm.s32 @!p0 $0x108  }
0x21: {  	s3 =	sadd.s32 s3, s9;
	s6 =	sadd.s32 @!p0 $0x88, s6;
	s7 =	simm.s32 @p2 $0x1082  }
0x22: {  	[simem:s7], [sflag:s8] =	dma.local @!p0 [hbm:s6], $0xF7A  }
0x23: {  	s9 =	sor.u32 $0xD0000000, s2;
	s6 =	simm.s32 $0x108;
	_ =	swait.ge @!p0 [sflag:s8], $0x0  }
0x24: {  	s3 =	sadd.s32 $0x88, s3;
	s6 =	simm.s32 @!p1 $0x1082;
	[sflag:s4] =	ssyncset.s32 $0xFFFFF086  }
0x25: {  	[simem:s6], [sflag:s4] =	dma.local [hbm:s3], $0xF7A  }
0x26: {  	[smem:$0x3F92] =	sst s1;
	(tag) =	ssettag s2;
	_ =	strace s9  }
0x27: {  	s1 =	sld [smem:$0x3FA2]  }
0x28: {  	s2 =	sld [smem:$0x3FA3]  }
0x29: {  	s4 =	sld [smem:$0x3FA5]  }
0x2a: {  	p0 =	seq.s32 s5, $0x0;
	s5 =	sld [smem:$0x3FA6]  }
0x2b: {  	s6 =	sld [smem:$0x3FA7]  }
0x2c: {  	s7 =	sld [smem:$0x3FA8]  }
0x2d: {  	s3 =	simm.s32 $0x108;
	s8 =	sld [smem:$0x3FA9]  }
0x2e: {  	s3 =	simm.s32 @!p0 $0x1082;
	s9 =	sld [smem:$0x3FAA]  }
0x2f: {  	lr =	sadd.s32 s0, s3;
	s0 =	sld [smem:$0x3FA1]  }
0x30: {  	s3 =	sld [smem:$0x3FA4]  }
0x31: {  	[smem:$0x3FAD] =	sst s10  }
0x32: {  	s10 =	sld [smem:$0x3FAB];
	_ =	sdelay $0x3  }
0x33: {  	p0 =	seq.s32 s10, $0x1;
	s10 =	sld [smem:$0x3FAD];
	_ =	sdelay $0x3  }
0x34: {  	[smem:$0x3FAD] =	sst s10  }
0x35: {  	s10 =	sld [smem:$0x3FAC];
	_ =	sdelay $0x3  }
0x36: {  	p1 =	seq.s32 s10, $0x1;
	s10 =	sld [smem:$0x3FAD];
	_ =	sdelay $0x3  }
0x37: {  	[smem:$0x3FAD] =	sst s10  }
0x38: {  	s10 =	sld [smem:$0x3FAE]  }
0x39: {  	_ = 	snop;
	(pc) =	sbr.ind lr, $3  }
0x3a: {  	_ = 	snop  }
0x3b: {  	_ = 	snop  }
0x3c: {  	p2 =	seq.s32 s10, $0x1;
	s10 =	sld [smem:$0x3FAD]  }
0x3d: {  	_ =	shalt  }
0x3e: {  	_ =	shalt  }
0x3f: {  	_ =	shalt  }
0x40: {  	_ =	shalt  }
0x41: {  	_ =	shalt  }
0x42: {  	_ =	shalt  }
0x43: {  	_ =	shalt  }
0x44: {  	_ =	shalt  }
0x45: {  	_ =	shalt  }
0x46: {  	_ =	shalt  }
0x47: {  	_ =	shalt  }
0x48: {  	_ =	shalt  }
0x49: {  	_ =	shalt  }
0x4a: {  	_ =	shalt  }
0x4b: {  	_ =	shalt  }
0x4c: {  	_ =	shalt  }
0x4d: {  	_ =	shalt  }
0x4e: {  	_ =	shalt  }
0x4f: {  	_ =	shalt  }
0x50: {  	_ =	shalt  }
0x51: {  	_ =	shalt  }
0x52: {  	_ =	shalt  }
0x53: {  	_ =	shalt  }
0x54: {  	_ =	shalt  }
0x55: {  	_ =	shalt  }
0x56: {  	_ =	shalt  }
0x57: {  	_ =	shalt  }
0x58: {  	_ =	shalt  }
0x59: {  	_ =	shalt  }
0x5a: {  	_ =	shalt  }
0x5b: {  	_ =	shalt  }
0x5c: {  	_ =	shalt  }
0x5d: {  	_ =	shalt  }
0x5e: {  	_ =	shalt  }
0x5f: {  	_ =	shalt  }
0x60: {  	_ =	shalt  }
0x61: {  	_ =	shalt  }
0x62: {  	_ =	shalt  }
0x63: {  	_ =	shalt  }
0x64: {  	_ =	shalt  }
0x65: {  	_ =	shalt  }
0x66: {  	_ =	shalt  }
0x67: {  	_ =	shalt  }
0x68: {  	_ =	shalt  }
0x69: {  	_ =	shalt  }
0x6a: {  	_ =	shalt  }
0x6b: {  	_ =	shalt  }
0x6c: {  	_ =	shalt  }
0x6d: {  	_ =	shalt  }
0x6e: {  	_ =	shalt  }
0x6f: {  	_ =	shalt  }
0x70: {  	_ =	shalt  }
0x71: {  	_ =	shalt  }
0x72: {  	_ =	shalt  }
0x73: {  	_ =	shalt  }
0x74: {  	_ =	shalt  }
0x75: {  	_ =	shalt  }
0x76: {  	_ =	shalt  }
0x77: {  	_ =	shalt  }
0x78: {  	_ =	shalt  }
0x79: {  	_ =	shalt  }
0x7a: {  	_ =	shalt  }
0x7b: {  	_ =	shalt  }
0x7c: {  	_ =	shalt  }
0x7d: {  	_ =	shalt  }
0x7e: {  	_ =	shalt  }
0x7f: {  	_ =	shalt  }
0x80: {  	_ =	shalt  }
0x81: {  	_ =	shalt  }
0x82: {  	_ =	shalt  }
0x83: {  	_ =	shalt  }
0x84: {  	_ =	shalt  }
0x85: {  	_ =	shalt  }
0x86: {  	_ =	shalt  }
0x87: {  	_ =	shalt  }
.Lfunc_end0:
.L_simem_size_0:
called_computation.1_lowered:
.L_overlay_start_0:
0x88: {  	s2 =	sld [smem:$0x3FD9]  }
0x89: {  	s3 =	sld [smem:$0x3FFE];
	_ =	sdelay $0x1  }
0x8a: {  	s1 =	srdreg.scid  }
0x8b: {  	s0 =	sand.u32 $0x1, s1  }
0x8c: {  	s16 =	sshll.u32 s0, $0xA;
	s2 =	sadd.s32 s3, s2  }
0x8d: {  	s2 =	sadd.s32 s2, s16  }
0x8e: {  	[smem:$0x3FB9] =	sst s2  }
0x8f: {  	_ = 	snop  }
0x90: {  	(tm) =	ssettm $0x1  }
0x91: {  	s17 =	sld [smem:$0x3FFB];
	_ =	sdelay $0x3  }
0x92: {  	_ =	strace s17  }
0x93: {  	s2 =	sld [smem:$0x3FFC];
	_ =	sdelay $0x3  }
0x94: {  	_ =	strace s2  }
0x95: {  	s2 =	sld [smem:$0x3FFD];
	_ =	sdelay $0x3  }
0x96: {  	_ =	strace s2  }
0x97: {  	_ =	strace $0x8FFFFFFF  }
0x98: {  	s18 =	sld [smem:$0x3FDB];
	_ =	sdelay $0x1  }
0x99: {  	s19 =	simm.s32 $_scs_section_size  }
0x9a: {  	s4 =	simm.s32 $_size__tile_overlayer_lowered;
	s5 =	simm.s32 $_tile_overlayer_lowered  }
0x9b: {  	s22 =	simm.s32 $0x1BFF;
	s21 =	sshll.u32 s5, $0x1;
	s2 =	sadd.s32 s19, s18  }
0x9c: {  	s6 =	simm.s32 $0x0;
	s20 =	sshll.u32 s4, $0x1;
	s4 =	sadd.s32 s21, s2  }
0x9d: {  	[timem:s6], [sflag:s22] =	dma.local [hbm:s4], s20  }
0x9e: {  	_ =	swait.ge [sflag:s22], s20  }
0x9f: {  	s3 =	ssub.s32 $0x0, s20;
	[sflag:s22] =	ssyncset.done $0x0  }
0xa0: {  	[sflag:s22] =	ssyncadd.s32 s3;
	_ =	sdelay $0x1  }
0xa1: {  	s23 =	simm.s32 $0x1B8B  }
0xa2: {  	_ =	swait.ge [sflag:s23], $0x1  }
0xa3: {  	[sflag:s23] =	ssyncset.done $0x0  }
0xa4: {  	s25 =	simm.s32 $0x1B8E;
	s24 =	sld [smem:$0x3FFE];
	[sflag:s23] =	ssyncadd.s32 $0xFFFFFFFF  }
0xa5: {  	s26 =	simm.s32 $execute0_lowered;
	[smem:$0x3FD2] =	sst s25  }
0xa6: {  	s4 =	sshll.u32 s26, $0x1;
	_ =	strace $0x80000049;
	[dreg:$0x1] =	wrdreg $0xFFFFFFFF  }
0xa7: {  	s28 =	simm.s32 $_size_execute0_lowered;
	s2 =	sadd.s32 s2, s4;
	[dreg:$0x0] =	wrdreg $0x0  }
0xa8: {  	s4 =	sshll.u32 s28, $0x1;
	[dreg:$0x2] =	wrdreg s2  }
0xa9: {  	[dreg:$0x3] =	wrdreg s4  }
0xaa: {  	[dreg:$0x4] =	wrdreg $0xC0  }
0xab: {  	_ =	task [dreg:s6], $0x5FFFF  }
0xac: {  	[dreg:$0x1] =	wrdreg $0xFFFFFFFF  }
0xad: {  	[dreg:$0x0] =	wrdreg $0x60  }
0xae: {  	[dreg:$0x2] =	wrdreg s24  }
0xaf: {  	[dreg:$0x3] =	wrdreg $0x78800  }
0xb0: {  	[dreg:$0x4] =	wrdreg $0x9  }
0xb1: {  	_ =	task.clear_ibuf [dreg:s6], $0x5FFFF;
	_ =	strace $0x90000049  }
0xb2: {  	s29 =	simm.s32 $0x9;
	_ =	strace $0x8000004B  }
0xb3: {  	_ =	swait.ge [sflag:s29], $0x1  }
0xb4: {  	[sflag:s29] =	ssyncadd.s32 $0xFFFFFFFF  }
0xb5: {  	_ =	strace $0x9000004B  }
0xb6: {  	_ =	sfence  }
0xb7: {  	s30 =	sld [smem:$0x0];
	_ =	sdelay $0x2  }
0xb8: {  	s31 =	sshll.u32 s1, $0xD;
	s1 =	sshrl.u32 s1, $0x2  }
0xb9: {  	s3 =	sand.u32 $0x4000, s31;
	s1 =	sadd.s32 s1, s30  }
0xba: {  	s0 =	sor.u32 s3, s0;
	s1 =	sshll.u32 s1, $0x11  }
0xbb: {  	s0 =	sor.u32 s1, s0  }
0xbc: {  	s0 =	sadd.s32 $0x8F2B, s0  }
0xbd: {  	[sflag:s0] =	ssyncadd.remote.s32 $0x1  }
0xbe: {  	_ =	sfence.sel $0xFFFF  }
0xbf: {  	[dreg:$0x0] =	wrdreg $0xFFFFFFFF;
	(pc) =	sbr.abs _section_cstart, $3  }
0xc0: {  	[dreg:$0x1] =	wrdreg $0xFFFFFFFF  }
0xc1: {  	_ =	task.clear_ibuf [dreg:s6], $0x2FFFF;
	_ =	strace $0x9FFFFFFF  }
0xc2: {  	(tm) =	ssettm $0x7FFFFFFF  }
0xc3: {  	_ =	shalt  }
tec
execute0_lowered:
.L_overlay_start_1:
0x0: {  	(tag) =	ssettag $0x1  }
0x1: {  	s0 =	rddreg [dreg:$0x0];
	s1 =	srdreg.scid  }
0x2: {  	s2 =	rddreg [dreg:$0x1];
	s10 =	stileid.u32  }
0x3: {  	s3 =	simm.s32 $0x0;
	s19 =	simm.s32 $0x2880;
	s20 =	simm.s32 $0x5  }
0x4: {  	s28 =	simm.s32 $0x6;
	s29 =	simm.s32 $0x4;
	s6 =	smul.u32 $0x14000, s10  }
0x5: {  	s30 =	simm.s32 $0x2;
	s31 =	simm.s32 $0x0;
	s7 =	smul.u32 $0x50000, s10  }
0x6: {  	s1 =	sand.u32 $0x1, s1;
	[smem:$0x7FF] =	sst s3;
	s14 =	smul.u32 $0x2710, s10  }
0x7: {  	s4 =	sadd.s32 $0x16800, s0;
	s21 =	sadd.s32 $0x2E00, s0;
	s5 =	smul.u32 $0x140000, s1  }
0x8: {  	_ =	strace $0x8000004A;
	s22 =	ssub.s32 $0x2, s1;
	s8 =	sshll.u32 s1, $0x4  }
0x9: {  	s1 =	smul.u32 $0x27100, s1;
	s9 =	sshrl.u32 s22, $0x1;
	s8 =	sor.u32 s10, s8  }
0xa: {  	s7 =	sshrl.u32 s7, $0x2;
	s5 =	sadd.s32 s6, s5;
	s16 =	ssub.s32 s22, s9  }
0xb: {  	s12 =	smul.u32 $0x2710, s8;
	s1 =	sadd.s32 s14, s1;
	s22 =	simm.s32 $0x50  }
0xc: {  	s5 =	sshrl.u32 s5, $0x3;
	s17 =	sadd.s32 $0x4E2A0, s1;
	s1 =	sadd.s32 $0x4E250, s1  }
0xd: {  	s16 =	smax.u32 s16, $0x1;
	s0 =	sadd.s32 s5, s0;
	s5 =	sadd.s32 s7, s2  }
0xe: {  	s13 =	sshrl.u32 s12, $0x3;
	s26 =	sshrl.u32 s17, $0x3;
	s1 =	sshrl.u32 s1, $0x3  }
0xf: {  	s7 =	sadd.s32 $0x2800, s5;
	s23 =	sadd.s32 $0x5000, s5;
	s24 =	sadd.s32 $0x7800, s5  }
0x10: {  	s25 =	sadd.s32 $0xA000, s5;
	s10 =	sadd.s32 $0xC800, s5;
	s11 =	sadd.s32 $0xF000, s5  }
0x11: {  	s12 =	sadd.s32 $0x11800, s5;
	s13 =	sadd.s32 s21, s13;
	[dreg:$0x3] =	wrdreg s7  }
0x12: {  	s15 =	sadd.s32 $0x3DA00, s0;
	s17 =	sadd.s32 s26, s21;
	[dreg:$0x4] =	wrdreg s23  }
0x13: {  	s18 =	sadd.s32 s1, s21;
	s21 =	simm.s32 $0x2780;
	[dreg:$0x5] =	wrdreg s24  }
0x14: {  	s26 =	simm.s32 $0x1;
	[dreg:$0x6] =	wrdreg s25;
	s14 =	sadd.s32 $0x9C40, s13  }
0x15: {  	v0 =	vimm.f32 $0.0e+00;
	s23 =	simm.s32 $0x2800;
	s24 =	simm.s32 $0x5080;
	s25 =	simm.s32 $0x3  }
.LBB2_1:
0x16: {  	s0 =	sand.u32 $0xFE00, s3  }
0x17: {  	s1 =	sand.u32 $0x70, s3;
	s6 =	sshrl.u32 s0, $0x2  }
0x18: {  	s0 =	simm.s32 $0x40;
	s6 =	sor.u32 s1, s6;
	s1 =	simm.s32 $0x0  }
.LBB2_2:
0x19: {  	p0 =	sne.s32 s0, $0x9FC0  }
0x1a: {  	[tilespmem:s6+$0x2880] =	vst v0;
	s1 =	sadd.s32 $0x10, s1;
	s6 =	smov.u32 s0;
	s0 =	sadd.s32 $0x40, s0  }
.Ltmp0:
0x1b: {  	(pc) =	sbr.rel @p0 .LBB2_2-.Ltmp0, $4  }
0x1c: {  	_ = 	snop  }
0x1d: {  	s6 =	sand.u32 $0xFE00, s6  }
0x1e: {  	s7 =	sand.u32 $0x70, s1;
	s6 =	sshrl.u32 s6, $0x2  }
0x1f: {  	s6 =	sor.u32 s7, s6  }
0x20: {  	[tilespmem:s6+$0x2880] =	vst v0  }
0x21: {  	[spmem:s5] =	stream.linear.scatter [tilespmem:s19], [sflag:$0x5], $0x2800, $0x38;
	[tilespmem:$0x1B880] =	vst v63  }
0x22: {  	_ =	swait.ge [sflag:s20], $0x2800  }
0x23: {  	[sflag:s20] =	ssyncset.done $0x0  }
0x24: {  	s0 =	rddreg [dreg:$0x3];
	[sflag:s20] =	ssyncadd.s32 $0xFFFFD800  }
0x25: {  	[spmem:s0] =	stream.linear.scatter [tilespmem:s19], [sflag:$0x5], $0x2800, $0x38;
	[tilespmem:$0x1B880] =	vst v63  }
0x26: {  	_ =	swait.ge [sflag:s20], $0x2800  }
0x27: {  	[sflag:s20] =	ssyncset.done $0x0  }
0x28: {  	s7 =	rddreg [dreg:$0x4];
	[sflag:s20] =	ssyncadd.s32 $0xFFFFD800  }
0x29: {  	[spmem:s7] =	stream.linear.scatter [tilespmem:s19], [sflag:$0x5], $0x2800, $0x38;
	[tilespmem:$0x1B880] =	vst v63  }
0x2a: {  	_ =	swait.ge [sflag:s20], $0x2800  }
0x2b: {  	[sflag:s20] =	ssyncset.done $0x0  }
0x2c: {  	s8 =	rddreg [dreg:$0x5];
	[sflag:s20] =	ssyncadd.s32 $0xFFFFD800  }
0x2d: {  	[spmem:s8] =	stream.linear.scatter [tilespmem:s19], [sflag:$0x5], $0x2800, $0x38;
	[tilespmem:$0x1B880] =	vst v63  }
0x2e: {  	_ =	swait.ge [sflag:s20], $0x2800  }
0x2f: {  	[sflag:s20] =	ssyncset.done $0x0  }
0x30: {  	s9 =	rddreg [dreg:$0x6];
	[sflag:s20] =	ssyncadd.s32 $0xFFFFD800  }
0x31: {  	[spmem:s9] =	stream.linear.scatter [tilespmem:s19], [sflag:$0x5], $0x2800, $0x38;
	[tilespmem:$0x1B880] =	vst v63  }
0x32: {  	_ =	swait.ge [sflag:s20], $0x2800  }
0x33: {  	[sflag:s20] =	ssyncset.done $0x0  }
0x34: {  	[sflag:s20] =	ssyncadd.s32 $0xFFFFD800  }
0x35: {  	[spmem:s10] =	stream.linear.scatter [tilespmem:s19], [sflag:$0x5], $0x2800, $0x38;
	[tilespmem:$0x1B880] =	vst v63  }
0x36: {  	_ =	swait.ge [sflag:s20], $0x2800  }
0x37: {  	[sflag:s20] =	ssyncset.done $0x0  }
0x38: {  	[sflag:s20] =	ssyncadd.s32 $0xFFFFD800  }
0x39: {  	[spmem:s11] =	stream.linear.scatter [tilespmem:s19], [sflag:$0x5], $0x2800, $0x38;
	[tilespmem:$0x1B880] =	vst v63  }
0x3a: {  	_ =	swait.ge [sflag:s20], $0x2800  }
0x3b: {  	[sflag:s20] =	ssyncset.done $0x0  }
0x3c: {  	[sflag:s20] =	ssyncadd.s32 $0xFFFFD800  }
0x3d: {  	[spmem:s12] =	stream.linear.scatter [tilespmem:s19], [sflag:$0x5], $0x2800, $0x38;
	[tilespmem:$0x1B880] =	vst v63  }
0x3e: {  	_ =	swait.ge [sflag:s20], $0x2800  }
0x3f: {  	[sflag:s20] =	ssyncset.done $0x0  }
0x40: {  	[sflag:s20] =	ssyncadd.s32 $0xFFFFD800  }
0x41: {  	s1 =	simm.s32 $0x0;
	[bflag:$0x0] =	sbarrier.arrive $0xFFFF  }
0x42: {  	[tilespmem:s1], [sflag:$0x5] =	stream.linear.gather [hbm4b:s13+s1], $0x2710, $0x38;
	[tilespmem:$0x1B880] =	vst v63  }
0x43: {  	_ =	swait.ge [sflag:s20], $0x2710  }
0x44: {  	[sflag:s20] =	ssyncset.done $0x0  }
0x45: {  	[sflag:s20] =	ssyncadd.s32 $0xFFFFD8F0  }
0x46: {  	[tilespmem:s21], [sflag:$0x3] =	stream.linear.gather [hbm4b:s14+s1], $0x50, $0x38;
	[tilespmem:$0x1B880] =	vst v63  }
0x47: {  	_ = 	snop  }
0x48: {  	[tilespmem:s19], [sflag:$0x1] =	stream.indirect.gather [hbm4b:s4+s22], $0x80, s1, s22, $0xb8;
	[tilespmem:$0x1B880] =	vst v63  }
0x49: {  	s6 =	sadd.s32 $0x0, s18  }
0x4a: {  	[tilespmem:s23], [sflag:$0x4] =	stream.linear.gather [hbm4b:s6+s3], $0x50, $0x38;
	[tilespmem:$0x1B880] =	vst v63  }
0x4b: {  	s7 =	simm.s32 $0x50  }
0x4c: {  	[tilespmem:s24], [sflag:$0x2] =	stream.indirect.gather [hbm4b:s4+s22], $0x80, s7, s22, $0xb8;
	[tilespmem:$0x1B880] =	vst v63  }
0x4d: {  	_ =	swait.ge [sflag:s25], $0x50  }
0x4e: {  	[sflag:s25] =	ssyncset.done $0x0  }
0x4f: {  	[sflag:s25] =	ssyncadd.s32 $0xFFFFFFB0  }
0x50: {  	_ =	swait.ge [sflag:s26], $0x2800  }
0x51: {  	[sflag:s26] =	ssyncset.done $0x0  }
0x52: {  	[sflag:s26] =	ssyncadd.s32 $0xFFFFD800  }
0x53: {  	[spmem:s2] =	stream.indirect.scatter.add.f32 [tilespmem:s19], [sflag:$0x6], $0x80, s21, s22, $0xb8;
	[tilespmem:$0x1B880] =	vst v63  }
0x54: {  	_ =	swait.ge [sflag:s28], $0x2800  }
0x55: {  	[sflag:s28] =	ssyncset.done $0x0  }
0x56: {  	s8 =	sadd.s32 $0x0, s17;
	[sflag:s28] =	ssyncadd.s32 $0xFFFFD800  }
0x57: {  	[tilespmem:s21], [sflag:$0x3] =	stream.linear.gather [hbm4b:s8+s3], $0x50, $0x38;
	[tilespmem:$0x1B880] =	vst v63  }
0x58: {  	s9 =	simm.s32 $0xA0  }
0x59: {  	[tilespmem:s19], [sflag:$0x1] =	stream.indirect.gather [hbm4b:s4+s22], $0x80, s9, s22, $0xb8;
	[tilespmem:$0x1B880] =	vst v63  }
0x5a: {  	_ =	swait.ge [sflag:s29], $0x50  }
0x5b: {  	[sflag:s29] =	ssyncset.done $0x0  }
0x5c: {  	[sflag:s29] =	ssyncadd.s32 $0xFFFFFFB0  }
0x5d: {  	_ =	swait.ge [sflag:s30], $0x2800  }
0x5e: {  	[sflag:s30] =	ssyncset.done $0x0  }
0x5f: {  	[sflag:s30] =	ssyncadd.s32 $0xFFFFD800  }
0x60: {  	[spmem:s2] =	stream.indirect.scatter.add.f32 [tilespmem:s24], [sflag:$0x5], $0x80, s23, s22, $0xb8;
	[tilespmem:$0x1B880] =	vst v63  }
0x61: {  	s0 =	simm.s32 $0x14;
	_ =	swait.ge [sflag:s20], $0x2800  }
0x62: {  	s1 =	simm.s32 $0x140;
	s6 =	simm.s32 $0x28;
	[sflag:s20] =	ssyncset.done $0x0  }
.LBB2_4:
0x63: {  	s7 =	sadd.s32 s0, s18  }
0x64: {  	[sflag:s20] =	ssyncadd.s32 $0xFFFFD800;
	s8 =	smov.u32 s6;
	s9 =	sadd.s32 $0x14, s6  }
0x65: {  	[tilespmem:s23], [sflag:$0x4] =	stream.linear.gather [hbm4b:s7+s3], $0x50, $0x38;
	[tilespmem:$0x1B880] =	vst v63  }
0x66: {  	p0 =	sne.s32 s6, $0x4C4;
	s6 =	sadd.s32 $0xFFFFFFB0, s1  }
0x67: {  	[tilespmem:s24], [sflag:$0x2] =	stream.indirect.gather [hbm4b:s4+s22], $0x80, s6, s22, $0xb8;
	[tilespmem:$0x1B880] =	vst v63  }
0x68: {  	_ =	swait.ge [sflag:s25], $0x50  }
0x69: {  	[sflag:s25] =	ssyncset.done $0x0  }
0x6a: {  	[sflag:s25] =	ssyncadd.s32 $0xFFFFFFB0  }
0x6b: {  	_ =	swait.ge [sflag:s26], $0x2800  }
0x6c: {  	[sflag:s26] =	ssyncset.done $0x0  }
0x6d: {  	[sflag:s26] =	ssyncadd.s32 $0xFFFFD800  }
0x6e: {  	[spmem:s2] =	stream.indirect.scatter.add.f32 [tilespmem:s19], [sflag:$0x6], $0x80, s21, s22, $0xb8;
	[tilespmem:$0x1B880] =	vst v63  }
0x6f: {  	_ =	swait.ge [sflag:s28], $0x2800  }
0x70: {  	[sflag:s28] =	ssyncset.done $0x0  }
0x71: {  	s6 =	sadd.s32 s0, s17;
	s0 =	smov.u32 s8;
	[sflag:s28] =	ssyncadd.s32 $0xFFFFD800  }
0x72: {  	[tilespmem:s21], [sflag:$0x3] =	stream.linear.gather [hbm4b:s6+s3], $0x50, $0x38;
	[tilespmem:$0x1B880] =	vst v63  }
0x73: {  	_ = 	snop  }
0x74: {  	[tilespmem:s19], [sflag:$0x1] =	stream.indirect.gather [hbm4b:s4+s22], $0x80, s1, s22, $0xb8;
	[tilespmem:$0x1B880] =	vst v63  }
0x75: {  	_ =	swait.ge [sflag:s29], $0x50  }
0x76: {  	[sflag:s29] =	ssyncset.done $0x0  }
0x77: {  	[sflag:s29] =	ssyncadd.s32 $0xFFFFFFB0  }
0x78: {  	_ =	swait.ge [sflag:s30], $0x2800  }
.Ltmp1:
0x79: {  	[sflag:s30] =	ssyncset.done $0x0;
	(pc) =	sbr.rel @p0 .LBB2_4-.Ltmp1, $4  }
0x7a: {  	[sflag:s30] =	ssyncadd.s32 $0xFFFFD800  }
0x7b: {  	[spmem:s2] =	stream.indirect.scatter.add.f32 [tilespmem:s24], [sflag:$0x5], $0x80, s23, s22, $0xb8;
	[tilespmem:$0x1B880] =	vst v63  }
0x7c: {  	_ =	swait.ge [sflag:s20], $0x2800  }
0x7d: {  	s6 =	smov.u32 s9;
	s1 =	sadd.s32 $0xA0, s1;
	[sflag:s20] =	ssyncset.done $0x0  }
0x7e: {  	s6 =	sadd.s32 s0, s18;
	[sflag:s20] =	ssyncadd.s32 $0xFFFFD800  }
0x7f: {  	[tilespmem:s23], [sflag:$0x4] =	stream.linear.gather [hbm4b:s6+s3], $0x50, $0x38;
	[tilespmem:$0x1B880] =	vst v63  }
0x80: {  	s9 =	sadd.s32 $0xFFFFFFB0, s1  }
0x81: {  	[tilespmem:s24], [sflag:$0x2] =	stream.indirect.gather [hbm4b:s4+s22], $0x80, s9, s22, $0xb8;
	[tilespmem:$0x1B880] =	vst v63  }
0x82: {  	_ =	swait.ge [sflag:s25], $0x50  }
0x83: {  	[sflag:s25] =	ssyncset.done $0x0  }
0x84: {  	[sflag:s25] =	ssyncadd.s32 $0xFFFFFFB0  }
0x85: {  	_ =	swait.ge [sflag:s26], $0x2800  }
0x86: {  	[sflag:s26] =	ssyncset.done $0x0  }
0x87: {  	[sflag:s26] =	ssyncadd.s32 $0xFFFFD800  }
0x88: {  	[spmem:s2] =	stream.indirect.scatter.add.f32 [tilespmem:s19], [sflag:$0x6], $0x80, s21, s22, $0xb8;
	[tilespmem:$0x1B880] =	vst v63  }
0x89: {  	_ =	swait.ge [sflag:s28], $0x2800  }
0x8a: {  	[sflag:s28] =	ssyncset.done $0x0  }
0x8b: {  	s7 =	sadd.s32 s0, s17;
	[sflag:s28] =	ssyncadd.s32 $0xFFFFD800  }
0x8c: {  	[tilespmem:s21], [sflag:$0x3] =	stream.linear.gather [hbm4b:s7+s3], $0x50, $0x38;
	[tilespmem:$0x1B880] =	vst v63  }
0x8d: {  	_ = 	snop  }
0x8e: {  	[tilespmem:s19], [sflag:$0x1] =	stream.indirect.gather [hbm4b:s4+s22], $0x80, s1, s22, $0xb8;
	[tilespmem:$0x1B880] =	vst v63  }
0x8f: {  	_ =	swait.ge [sflag:s29], $0x50  }
0x90: {  	[sflag:s29] =	ssyncset.done $0x0  }
0x91: {  	[sflag:s29] =	ssyncadd.s32 $0xFFFFFFB0  }
0x92: {  	_ =	swait.ge [sflag:s30], $0x2800  }
0x93: {  	[sflag:s30] =	ssyncset.done $0x0  }
0x94: {  	[sflag:s30] =	ssyncadd.s32 $0xFFFFD800  }
0x95: {  	[spmem:s2] =	stream.indirect.scatter.add.f32 [tilespmem:s24], [sflag:$0x5], $0x80, s23, s22, $0xb8;
	[tilespmem:$0x1B880] =	vst v63  }
0x96: {  	_ =	swait.ge [sflag:s20], $0x2800  }
0x97: {  	[sflag:s20] =	ssyncset.done $0x0  }
0x98: {  	[sflag:s20] =	ssyncadd.s32 $0xFFFFD800  }
0x99: {  	_ =	swait.ge [sflag:s25], $0x50  }
0x9a: {  	[sflag:s25] =	ssyncset.done $0x0  }
0x9b: {  	[sflag:s25] =	ssyncadd.s32 $0xFFFFFFB0  }
0x9c: {  	_ =	swait.ge [sflag:s26], $0x2800  }
0x9d: {  	[sflag:s26] =	ssyncset.done $0x0  }
0x9e: {  	[sflag:s26] =	ssyncadd.s32 $0xFFFFD800  }
0x9f: {  	[spmem:s2] =	stream.indirect.scatter.add.f32 [tilespmem:s19], [sflag:$0x6], $0x80, s21, s22, $0xb8;
	[tilespmem:$0x1B880] =	vst v63  }
0xa0: {  	s8 =	stileid.u32;
	_ =	swait.ge [sflag:s28], $0x2800  }
0xa1: {  	s31 =	sadd.s32 $0x1, s31;
	s0 =	sshll.u32 s8, $0x6;
	[sflag:s28] =	ssyncset.done $0x0  }
0xa2: {  	p0 =	sne.s32 s31, s16;
	s0 =	sor.u32 $0x1C05, s0;
	[sflag:s28] =	ssyncadd.s32 $0xFFFFD800  }
.Ltmp2:
0xa3: {  	s9 =	sshrl.u32 s5, $0x3;
	[bflag:$0x0] =	sbarrier.arrive $0xFFFF;
	(pc) =	sbr.rel @p0 .LBB2_1-.Ltmp2, $4  }
0xa4: {  	[hbm:s15], [sflag:s0] =	dma.local [spmem:s9], $0x2800  }
0xa5: {  	_ =	swait.ge [sflag:s20], $0x2800  }
0xa6: {  	[sflag:s20] =	ssyncset.done $0x0  }
0xa7: {  	[sflag:s20] =	ssyncadd.s32 $0xFFFFD800  }
0xa8: {  	_ =	sfence.sel $0x180000  }
0xa9: {  	[bflag:$0x0] =	sbarrier.arrive $0xFFFF  }
0xaa: {  	_ =	strace $0x9000004A  }
0xab: {  	s0 =	stileid.u32;
	[bflag:$0x2] =	sbarrier.arrive $0xFFFF  }
0xac: {  	p0 =	sne.s32 s0, $0x0;
	s0 =	rddreg [dreg:$0x2]  }
0xad: {  	s0 =	sadd.s32 @!p0 $0x100000, s0  }
0xae: {  	[sflag:s0] =	ssyncadd.tile.s32 @!p0 $0x1;
	_ =	shalt  }
.Lfunc_end2:
_tile_overlayer_lowered:
.L_overlay_start_2:
0xaf: {  	(tag) =	ssettag $0x2  }
0xb0: {  	s0 =	rddreg [dreg:$0x0];
	s2 =	stileid.u32  }
0xb1: {  	s1 =	rddreg [dreg:$0x1];
	p0 =	sne.s32 s2, $0x0  }
0xb2: {  	s3 =	rddreg [dreg:$0x2];
	[bflag:$0x3] =	sbarrier.arrive $0xFFFF;
	s2 =	simm.s32 @!p0 $0x1C05  }
0xb3: {  	[timem:s3], [sflag:s2] =	dma.local @!p0 [hbm:s0], s1  }
0xb4: {  	s0 =	simm.s32 @!p0 $0x5  }
0xb5: {  	_ =	swait.ge @!p0 [sflag:s0], s1  }
0xb6: {  	s1 =	ssub.s32 @!p0 $0x0, s1;
	[sflag:s0] =	ssyncset.done @!p0 $0x0  }
0xb7: {  	[sflag:s0] =	ssyncadd.s32 @!p0 s1  }
0xb8: {  	[bflag:$0x3] =	sbarrier.arrive $0xFFFF  }
0xb9: {  	_ =	shalt  }

</sc_bundles>
